<compile_context>
chip_gen: v7x
topology: tpu7x:2x2x1
jax: 0.10.2.dev20260603
libtpu: 0.0.44.dev20260713+nightly
codegen_flags: <defaults>
</compile_context>

<pallas_src>
import jax
import jax.numpy as jnp
from jax import lax
from jax.experimental import pallas as pl
from jax.experimental.pallas import tpu as pltpu
from jax.experimental.pallas import tpu_sc as plsc

N_CLASS = 100000
FEA_DIM = 128
N_SAMPLES = 16384
L = 16
NF = FEA_DIM // L

NC = 2
NS = 16
NW = NC * NS
ROWS_PER_W = N_CLASS // NW
CB = 250
NCB = -(-ROWS_PER_W // CB)
NBUF = 3
EB = 64
LOG2_N = 14


def _sread(ref, i):
    return ref[pl.ds(i, L)][0]


def _lower_bound(ids_ref, limit):
    def body(_, c):
        lo, hi = c
        mid = (lo + hi) // 2
        pred = _sread(ids_ref, mid) < limit
        return (jnp.where(pred, mid + 1, lo), jnp.where(pred, hi, mid))
    lo, _ = lax.fori_loop(0, LOG2_N, body,
                          (jnp.int32(0), jnp.int32(N_SAMPLES)))
    return lo


def _base(r0, b):
    return r0 + jnp.minimum(b * CB, ROWS_PER_W - CB)


def _sc_body(pp_hbm, emb_hbm, ids_hbm, out_hbm,
             ids_v, bufs, emb_buf, ld_sem, st_sem, eb_sem):
    wid = lax.axis_index("s") * NC + lax.axis_index("c")
    r0 = wid * ROWS_PER_W
    lanes = lax.iota(jnp.int32, L)
    EBW = EB * FEA_DIM

    def splat(x):
        return jnp.full((L,), x, jnp.int32)

    def emb_start(lo, which, sem):
        start_c = jnp.minimum(lo, N_SAMPLES - EB)
        return pltpu.async_copy(
            emb_hbm.at[pl.ds(start_c * FEA_DIM, EBW)],
            emb_buf.at[pl.ds(which * EBW, EBW)], sem)

    pltpu.async_copy(pp_hbm.at[pl.ds(r0, CB)], bufs.at[0], ld_sem)

    pltpu.sync_copy(ids_hbm, ids_v.at[pl.ds(0, N_SAMPLES)])

    lo0 = _lower_bound(ids_v, r0)
    emb_start(lo0, jnp.int32(0), eb_sem)

    zrow = tuple(jnp.zeros((L,), jnp.float32) for _ in range(NF))

    def block(b, lo_b):
        cur = lax.rem(b, NBUF)
        nxt = lax.rem(b + 1, NBUF)
        base = _base(r0, b)
        hi_b = _lower_bound(ids_v, base + CB)

        pltpu.make_async_copy(pp_hbm.at[pl.ds(base, CB)], bufs.at[cur],
                              ld_sem).wait()

        @pl.when(b + 1 < NCB)
        def _():
            @pl.when(b >= NBUF - 1)
            def _():
                pltpu.make_async_copy(bufs.at[nxt],
                                      out_hbm.at[pl.ds(base, CB)],
                                      st_sem).wait()
            pltpu.async_copy(pp_hbm.at[pl.ds(_base(r0, b + 1), CB)],
                             bufs.at[nxt], ld_sem)

        def apply_mean(seg_id, acc, cnt):
            rcv = jnp.full((L,), 1.0, jnp.float32) / jnp.full((L,), cnt,
                                                              jnp.float32)
            row = splat(seg_id - base)
            for k in range(NF):
                plsc.store_scatter(bufs, [splat(cur), row, k * L + lanes],
                                   acc[k] * rcv)

        n_b = hi_b - lo_b
        nscan = (n_b + EB - 1) // EB

        pltpu.make_async_copy(emb_hbm.at[pl.ds(0, EB * FEA_DIM)],
                              emb_buf.at[pl.ds(0, EB * FEA_DIM)],
                              eb_sem).wait()

        def scan_outer(e, carry):
            start = lo_b + e * EB
            start_c = jnp.minimum(start, N_SAMPLES - EB)
            blk_end = jnp.minimum(start + EB, hi_b)
            which = lax.rem(b + e, 2)

            @pl.when(e >= 1)
            def _():
                pltpu.sync_copy(
                    emb_hbm.at[pl.ds(start_c * FEA_DIM, EB * FEA_DIM)],
                    emb_buf.at[pl.ds(which * EB * FEA_DIM,
                                     EB * FEA_DIM)])

            ebase = which * EB * FEA_DIM

            def inner(j, c):
                acc, cnt, prev = c
                idj = _sread(ids_v, j)
                loc = j - start_c
                row = tuple(emb_buf[pl.ds(ebase + loc * FEA_DIM + k * L,
                                          L)]
                            for k in range(NF))
                is_new = idj != prev

                @pl.when(jnp.logical_and(is_new, cnt > 0.0))
                def _():
                    apply_mean(prev, acc, cnt)

                acc = tuple(jnp.where(is_new, row[k], acc[k] + row[k])
                            for k in range(NF))
                cnt = jnp.where(is_new, jnp.float32(1.0), cnt + 1.0)
                return (acc, cnt, idj)

            return lax.fori_loop(start, blk_end, inner, carry)

        init = (zrow, jnp.float32(0.0), jnp.int32(-1))
        acc, cnt, prev = lax.fori_loop(0, nscan, scan_outer, init)

        @pl.when(jnp.logical_and(n_b > 0, cnt > 0.0))
        def _():
            apply_mean(prev, acc, cnt)

        lo_next = _lower_bound(ids_v, _base(r0, b + 1))

        pltpu.async_copy(bufs.at[cur], out_hbm.at[pl.ds(base, CB)], st_sem)

        @pl.when(b + 1 < NCB)
        def _():
            emb_start(lo_next, lax.rem(b + 1, 2), eb_sem)
        return lo_next

    lax.fori_loop(0, NCB, block, lo0)

    for bb in range(NCB - NBUF, NCB):
        pltpu.make_async_copy(bufs.at[lax.rem(jnp.int32(bb), NBUF)],
                              out_hbm.at[pl.ds(_base(r0, bb), CB)],
                              st_sem).wait()


def kernel(pp_running, embeddings, class_ids):
    ids = class_ids.astype(jnp.int32)
    emb_flat = embeddings.reshape(N_SAMPLES * FEA_DIM)
    mesh = plsc.VectorSubcoreMesh(core_axis_name="c", subcore_axis_name="s")
    f = pl.kernel(
        _sc_body,
        out_type=jax.ShapeDtypeStruct((N_CLASS, FEA_DIM), jnp.float32),
        mesh=mesh,
        compiler_params=pltpu.CompilerParams(use_tc_tiling_on_sc=False,
                                             needs_layout_passes=False),
        scratch_types=[
            pltpu.VMEM((N_SAMPLES + L,), jnp.int32),
            pltpu.VMEM((NBUF, CB, FEA_DIM), jnp.float32),
            pltpu.VMEM((2 * EB * FEA_DIM,), jnp.float32),
            pltpu.SemaphoreType.DMA,
            pltpu.SemaphoreType.DMA,
            pltpu.SemaphoreType.DMA,
        ],
    )
    return f(pp_running, emb_flat, ids)

# --- scband reference (transcript-rebuilt; emitter-appended) ---
"""Pipeline reference for scband-pp-buffer-46712064311682 (READ-ONLY COPY).

The authoritative reference and input builder live on the scoring server;
editing this copy changes nothing except your own understanding.
"""

import jax, jax.numpy as jnp
import numpy as np

N_CLASS = 100000
FEA_DIM = 128
N_SAMPLES = 16384


def setup_inputs(seed: int = 0) -> dict:
    key = jax.random.key(seed)
    k1, k2, k3 = jax.random.split(key, 3)
    pp_running = jax.random.normal(k1, (N_CLASS, FEA_DIM), dtype=jnp.float32)
    embeddings = jax.random.normal(k2, (N_SAMPLES, FEA_DIM), dtype=jnp.float32)
    class_ids = jnp.sort(jax.random.randint(k3, (N_SAMPLES,), 0, N_CLASS, dtype=jnp.int64))
    return {"pp_running": pp_running, "embeddings": embeddings, "class_ids": class_ids}


def reference(pp_running, embeddings, class_ids):
    # Faithful translation of pp_buffer.reset_buffer: for each class (wordid)
    # present in the batch stream, compute the mean embedding over that class's
    # samples and overwrite the corresponding row of the running prototype
    # buffer: self.pp_running[wordid] = mean(emb_model(imgs)).
    n_class = pp_running.shape[0]
    ones = jnp.ones((embeddings.shape[0],), dtype=embeddings.dtype)
    sums = jax.ops.segment_sum(embeddings, class_ids, num_segments=n_class)
    counts = jax.ops.segment_sum(ones, class_ids, num_segments=n_class)
    means = sums / jnp.maximum(counts, 1.0)[:, None]
    present = (counts > 0)[:, None]
    new_buffer = jnp.where(present, means, pp_running)
    return new_buffer

if __name__ == "__main__":
    import jax
    _d = setup_inputs()
    print(jax.jit(kernel)(*tuple(_d.values())))

</pallas_src>

<mosaic_0001>
#map = affine_map<(d0, d1) -> (0, 0)>
#map1 = affine_map<(d0, d1) -> (0)>
module attributes {stable_mosaic.version = 14 : i64} {
  func.func @_sc_body(%arg0: i32, %arg1: i32, %arg2: memref<100000x128xf32, #tpu.memory_space<hbm>>, %arg3: memref<2097152xf32, #tpu.memory_space<hbm>>, %arg4: memref<16384xi32, #tpu.memory_space<hbm>>, %arg5: memref<100000x128xf32, #tpu.memory_space<hbm>>, %arg6: memref<16400xi32, #tpu.memory_space<vmem>>, %arg7: memref<3x250x128xf32, #tpu.memory_space<vmem>>, %arg8: memref<16384xf32, #tpu.memory_space<vmem>>, %arg9: memref<!tpu.dma_semaphore, #tpu.memory_space<semaphore_mem>>, %arg10: memref<!tpu.dma_semaphore, #tpu.memory_space<semaphore_mem>>, %arg11: memref<!tpu.dma_semaphore, #tpu.memory_space<semaphore_mem>>) attributes {dimension_semantics = [#tpu.dimension_semantics<core_parallel>, #tpu.dimension_semantics<subcore_parallel>], iteration_bounds = array<i64: 2, 16>, scalar_prefetch = 0 : i64, scratch_operands = 6 : i64, tpu.core_type = #tpu.core_type<sc_vector_subcore>, window_params = [{transform_indices = #map}, {transform_indices = #map1}, {transform_indices = #map1}, {transform_indices = #map}]} {
    %mul3A = arith.constant 2 : i32
    %mul3A_0 = arith.muli %arg1, %mul3A : i32
    %add3A = arith.addi %mul3A_0, %arg0 : i32
    %mul3A_1 = arith.constant 3125 : i32
    %mul3A_2 = arith.muli %add3A, %mul3A_1 : i32
    %iota3A = tpu.iota {dimensions = array<i32: 0>} : vector<16xi32>
    %dma_start3A = arith.constant 0 : i32
    %dma_start3A_3 = arith.constant 0 : i32
    %dma_start3A_4 = arith.constant 0 : i32
    %dma_start3A_5 = tpu.memref_slice %arg7[%dma_start3A, %dma_start3A_3, %dma_start3A_4] : memref<3x250x128xf32, #tpu.memory_space<vmem>> -> memref<1x250x128xf32, #tpu.memory_space<vmem>>
    %dma_start3A_6 = tpu.memref_squeeze %dma_start3A_5 : memref<1x250x128xf32, #tpu.memory_space<vmem>> -> memref<250x128xf32, #tpu.memory_space<vmem>>
    %dma_start3A_7 = arith.constant 0 : i32
    %dma_start3A_8 = tpu.memref_slice %arg2[%mul3A_2, %dma_start3A_7] : memref<100000x128xf32, #tpu.memory_space<hbm>> -> memref<250x128xf32, #tpu.memory_space<hbm>>
    %dma_start3A_9 = arith.constant 0 : i32
    %dma_start3A_10 = arith.constant 0 : i32
    %dma_start3A_11 = tpu.memref_slice %arg7[%dma_start3A, %dma_start3A_9, %dma_start3A_10] : memref<3x250x128xf32, #tpu.memory_space<vmem>> -> memref<1x250x128xf32, #tpu.memory_space<vmem>>
    %dma_start3A_12 = tpu.memref_squeeze %dma_start3A_11 : memref<1x250x128xf32, #tpu.memory_space<vmem>> -> memref<250x128xf32, #tpu.memory_space<vmem>>
    %dma_start3A_13 = arith.constant 0 : i32
    %dma_start3A_14 = tpu.memref_slice %arg2[%mul3A_2, %dma_start3A_13] : memref<100000x128xf32, #tpu.memory_space<hbm>> -> memref<250x128xf32, #tpu.memory_space<hbm>>
    tpu.enqueue_dma source(%dma_start3A_14 : memref<250x128xf32, #tpu.memory_space<hbm>>) target(%dma_start3A_12 : memref<250x128xf32, #tpu.memory_space<vmem>>) target_semaphore(%arg9 : memref<!tpu.dma_semaphore, #tpu.memory_space<semaphore_mem>>)
    "tpu.region"() ({
      %run_scoped3A = tpu.sem_alloc : memref<!tpu.dma_semaphore, #tpu.memory_space<semaphore_mem>>
      %dma_start3A_108 = arith.constant 0 : i32
      %dma_start3A_109 = tpu.memref_slice %arg6[%dma_start3A_108] : memref<16400xi32, #tpu.memory_space<vmem>> -> memref<16384xi32, #tpu.memory_space<vmem>>
      %dma_start3A_110 = arith.constant 0 : i32
      %dma_start3A_111 = tpu.memref_slice %arg6[%dma_start3A_110] : memref<16400xi32, #tpu.memory_space<vmem>> -> memref<16384xi32, #tpu.memory_space<vmem>>
      tpu.enqueue_dma source(%arg4 : memref<16384xi32, #tpu.memory_space<hbm>>) target(%dma_start3A_111 : memref<16384xi32, #tpu.memory_space<vmem>>) target_semaphore(%run_scoped3A : memref<!tpu.dma_semaphore, #tpu.memory_space<semaphore_mem>>)
      %dma_wait3A_112 = arith.constant 0 : i32
      %dma_wait3A_113 = tpu.memref_slice %arg6[%dma_wait3A_112] : memref<16400xi32, #tpu.memory_space<vmem>> -> memref<16384xi32, #tpu.memory_space<vmem>>
      %dma_wait3A_114 = arith.constant 0 : i32
      %dma_wait3A_115 = tpu.memref_slice %arg6[%dma_wait3A_114] : memref<16400xi32, #tpu.memory_space<vmem>> -> memref<16384xi32, #tpu.memory_space<vmem>>
      tpu.wait_dma2 semaphore(%run_scoped3A : memref<!tpu.dma_semaphore, #tpu.memory_space<semaphore_mem>>) src(%arg4 : memref<16384xi32, #tpu.memory_space<hbm>>) dst(%dma_wait3A_115 : memref<16384xi32, #tpu.memory_space<vmem>>)
      tpu.yield
    }) : () -> ()
    %scan3A = arith.constant 0 : i32
    %scan3A_15 = arith.constant 16384 : i32
    %scan3A_16 = arith.constant 0 : i32
    %scan3A_17 = arith.constant 14 : i32
    %scan3A_18 = arith.addi %scan3A_16, %scan3A_17 : i32
    %scan3A_19 = arith.constant 1 : i32
    %scan3A_20:2 = scf.for %scan3A_108 = %scan3A_16 to %scan3A_18 step %scan3A_19 iter_args(%scan3A_109 = %scan3A, %scan3A_110 = %scan3A_15) -> (i32, i32)  : i32 {
      %add3A_111 = arith.addi %scan3A_109, %scan3A_110 : i32
      %jit3A = arith.constant 2 : i32
      %div3A = arith.divsi %add3A_111, %jit3A : i32
      %sign3A = arith.constant 0 : i32
      %sign3A_112 = arith.cmpi sgt, %add3A_111, %sign3A : i32
      %sign3A_113 = arith.extui %sign3A_112 : i1 to i32
      %sign3A_114 = arith.constant 0 : i32
      %sign3A_115 = arith.cmpi slt, %add3A_111, %sign3A_114 : i32
      %sign3A_116 = arith.extui %sign3A_115 : i1 to i32
      %sign3A_117 = arith.subi %sign3A_113, %sign3A_116 : i32
      %sign3A_118 = arith.constant 0 : i32
      %sign3A_119 = arith.cmpi sgt, %jit3A, %sign3A_118 : i32
      %sign3A_120 = arith.extui %sign3A_119 : i1 to i32
      %sign3A_121 = arith.constant 0 : i32
      %sign3A_122 = arith.cmpi slt, %jit3A, %sign3A_121 : i32
      %sign3A_123 = arith.extui %sign3A_122 : i1 to i32
      %sign3A_124 = arith.subi %sign3A_120, %sign3A_123 : i32
      %ne3A = arith.cmpi ne, %sign3A_117, %sign3A_124 : i32
      %rem3A_125 = arith.remsi %add3A_111, %jit3A : i32
      %ne3A_126 = arith.constant 0 : i32
      %ne3A_127 = arith.cmpi ne, %rem3A_125, %ne3A_126 : i32
      %and3A = arith.andi %ne3A, %ne3A_127 : i1
      %sub3A = arith.constant 1 : i32
      %sub3A_128 = arith.subi %div3A, %sub3A : i32
      %select_n3A = arith.select %and3A, %sub3A_128, %div3A : i32
      %get3A = arith.index_cast %select_n3A : i32 to index
      %get3A_129 = tpu.vector_load %arg6[%get3A] {strides = array<i32>} : memref<16400xi32, #tpu.memory_space<vmem>>, vector<16xi32>,
      %slice3A = vector.extract_strided_slice %get3A_129 {offsets = [0], sizes = [1], strides = [1]} : vector<16xi32> to vector<1xi32>
      %squeeze3A = vector.extract %slice3A[0] : i32 from vector<1xi32>
      %lt3A = arith.cmpi slt, %squeeze3A, %mul3A_2 : i32
      %add3A_130 = arith.constant 1 : i32
      %add3A_131 = arith.addi %select_n3A, %add3A_130 : i32
      %select_n3A_132 = arith.select %lt3A, %add3A_131, %scan3A_109 : i32
      %select_n3A_133 = arith.select %lt3A, %scan3A_110, %select_n3A : i32
      scf.yield %select_n3A_132, %select_n3A_133 : i32, i32
    }
    %scan3A_21 = arith.constant 14 : i32
    %min3A = arith.constant 16320 : i32
    %min3A_22 = arith.minsi %scan3A_20#0, %min3A : i32
    %mul3A_23 = arith.constant 128 : i32
    %mul3A_24 = arith.muli %min3A_22, %mul3A_23 : i32
    %mul3A_25 = arith.constant 0 : i32
    %mul3A_26 = arith.constant 8192 : i32
    %mul3A_27 = arith.muli %mul3A_25, %mul3A_26 : i32
    %dma_start3A_28 = tpu.memref_slice %arg8[%mul3A_27] : memref<16384xf32, #tpu.memory_space<vmem>> -> memref<8192xf32, #tpu.memory_space<vmem>>
    %dma_start3A_29 = tpu.memref_slice %arg3[%mul3A_24] : memref<2097152xf32, #tpu.memory_space<hbm>> -> memref<8192xf32, #tpu.memory_space<hbm>>
    %dma_start3A_30 = tpu.memref_slice %arg8[%mul3A_27] : memref<16384xf32, #tpu.memory_space<vmem>> -> memref<8192xf32, #tpu.memory_space<vmem>>
    %dma_start3A_31 = tpu.memref_slice %arg3[%mul3A_24] : memref<2097152xf32, #tpu.memory_space<hbm>> -> memref<8192xf32, #tpu.memory_space<hbm>>
    tpu.enqueue_dma source(%dma_start3A_31 : memref<8192xf32, #tpu.memory_space<hbm>>) target(%dma_start3A_30 : memref<8192xf32, #tpu.memory_space<vmem>>) target_semaphore(%arg11 : memref<!tpu.dma_semaphore, #tpu.memory_space<semaphore_mem>>)
    %broadcast_in_dim3A = arith.constant 0.000000e+00 : f32
    %broadcast_in_dim3A_32 = vector.broadcast %broadcast_in_dim3A : f32 to vector<16xf32>
    %broadcast_in_dim3A_33 = arith.constant 0.000000e+00 : f32
    %broadcast_in_dim3A_34 = vector.broadcast %broadcast_in_dim3A_33 : f32 to vector<16xf32>
    %broadcast_in_dim3A_35 = arith.constant 0.000000e+00 : f32
    %broadcast_in_dim3A_36 = vector.broadcast %broadcast_in_dim3A_35 : f32 to vector<16xf32>
    %broadcast_in_dim3A_37 = arith.constant 0.000000e+00 : f32
    %broadcast_in_dim3A_38 = vector.broadcast %broadcast_in_dim3A_37 : f32 to vector<16xf32>
    %broadcast_in_dim3A_39 = arith.constant 0.000000e+00 : f32
    %broadcast_in_dim3A_40 = vector.broadcast %broadcast_in_dim3A_39 : f32 to vector<16xf32>
    %broadcast_in_dim3A_41 = arith.constant 0.000000e+00 : f32
    %broadcast_in_dim3A_42 = vector.broadcast %broadcast_in_dim3A_41 : f32 to vector<16xf32>
    %broadcast_in_dim3A_43 = arith.constant 0.000000e+00 : f32
    %broadcast_in_dim3A_44 = vector.broadcast %broadcast_in_dim3A_43 : f32 to vector<16xf32>
    %broadcast_in_dim3A_45 = arith.constant 0.000000e+00 : f32
    %broadcast_in_dim3A_46 = vector.broadcast %broadcast_in_dim3A_45 : f32 to vector<16xf32>
    %scan3A_47 = arith.constant 0 : i32
    %scan3A_48 = arith.constant 13 : i32
    %scan3A_49 = arith.addi %scan3A_47, %scan3A_48 : i32
    %scan3A_50 = arith.constant 1 : i32
    %scan3A_51 = scf.for %scan3A_108 = %scan3A_47 to %scan3A_49 step %scan3A_50 iter_args(%scan3A_109 = %scan3A_20#0) -> (i32)  : i32 {
      %rem3A_110 = arith.constant 3 : i32
      %rem3A_111 = arith.remsi %scan3A_108, %rem3A_110 : i32
      %add3A_112 = arith.constant 1 : i32
      %add3A_113 = arith.addi %scan3A_108, %add3A_112 : i32
      %rem3A_114 = arith.constant 3 : i32
      %rem3A_115 = arith.remsi %add3A_113, %rem3A_114 : i32
      %mul3A_116 = arith.constant 250 : i32
      %mul3A_117 = arith.muli %scan3A_108, %mul3A_116 : i32
      %min3A_118 = arith.constant 2875 : i32
      %min3A_119 = arith.minsi %mul3A_117, %min3A_118 : i32
      %add3A_120 = arith.addi %mul3A_2, %min3A_119 : i32
      %add3A_121 = arith.constant 250 : i32
      %add3A_122 = arith.addi %add3A_120, %add3A_121 : i32
      %scan3A_123 = arith.constant 0 : i32
      %scan3A_124 = arith.constant 16384 : i32
      %scan3A_125 = arith.constant 0 : i32
      %scan3A_126 = arith.constant 14 : i32
      %scan3A_127 = arith.addi %scan3A_125, %scan3A_126 : i32
      %scan3A_128 = arith.constant 1 : i32
      %scan3A_129:2 = scf.for %scan3A_230 = %scan3A_125 to %scan3A_127 step %scan3A_128 iter_args(%scan3A_231 = %scan3A_123, %scan3A_232 = %scan3A_124) -> (i32, i32)  : i32 {
        %add3A_233 = arith.addi %scan3A_231, %scan3A_232 : i32
        %jit3A_234 = arith.constant 2 : i32
        %div3A_235 = arith.divsi %add3A_233, %jit3A_234 : i32
        %sign3A_236 = arith.constant 0 : i32
        %sign3A_237 = arith.cmpi sgt, %add3A_233, %sign3A_236 : i32
        %sign3A_238 = arith.extui %sign3A_237 : i1 to i32
        %sign3A_239 = arith.constant 0 : i32
        %sign3A_240 = arith.cmpi slt, %add3A_233, %sign3A_239 : i32
        %sign3A_241 = arith.extui %sign3A_240 : i1 to i32
        %sign3A_242 = arith.subi %sign3A_238, %sign3A_241 : i32
        %sign3A_243 = arith.constant 0 : i32
        %sign3A_244 = arith.cmpi sgt, %jit3A_234, %sign3A_243 : i32
        %sign3A_245 = arith.extui %sign3A_244 : i1 to i32
        %sign3A_246 = arith.constant 0 : i32
        %sign3A_247 = arith.cmpi slt, %jit3A_234, %sign3A_246 : i32
        %sign3A_248 = arith.extui %sign3A_247 : i1 to i32
        %sign3A_249 = arith.subi %sign3A_245, %sign3A_248 : i32
        %ne3A_250 = arith.cmpi ne, %sign3A_242, %sign3A_249 : i32
        %rem3A_251 = arith.remsi %add3A_233, %jit3A_234 : i32
        %ne3A_252 = arith.constant 0 : i32
        %ne3A_253 = arith.cmpi ne, %rem3A_251, %ne3A_252 : i32
        %and3A_254 = arith.andi %ne3A_250, %ne3A_253 : i1
        %sub3A_255 = arith.constant 1 : i32
        %sub3A_256 = arith.subi %div3A_235, %sub3A_255 : i32
        %select_n3A_257 = arith.select %and3A_254, %sub3A_256, %div3A_235 : i32
        %get3A = arith.index_cast %select_n3A_257 : i32 to index
        %get3A_258 = tpu.vector_load %arg6[%get3A] {strides = array<i32>} : memref<16400xi32, #tpu.memory_space<vmem>>, vector<16xi32>,
        %slice3A = vector.extract_strided_slice %get3A_258 {offsets = [0], sizes = [1], strides = [1]} : vector<16xi32> to vector<1xi32>
        %squeeze3A = vector.extract %slice3A[0] : i32 from vector<1xi32>
        %lt3A_259 = arith.cmpi slt, %squeeze3A, %add3A_122 : i32
        %add3A_260 = arith.constant 1 : i32
        %add3A_261 = arith.addi %select_n3A_257, %add3A_260 : i32
        %select_n3A_262 = arith.select %lt3A_259, %add3A_261, %scan3A_231 : i32
        %select_n3A_263 = arith.select %lt3A_259, %scan3A_232, %select_n3A_257 : i32
        scf.yield %select_n3A_262, %select_n3A_263 : i32, i32
      }
      %scan3A_130 = arith.constant 14 : i32
      %dma_wait3A_131 = arith.constant 0 : i32
      %dma_wait3A_132 = arith.constant 0 : i32
      %dma_wait3A_133 = tpu.memref_slice %arg7[%rem3A_111, %dma_wait3A_131, %dma_wait3A_132] : memref<3x250x128xf32, #tpu.memory_space<vmem>> -> memref<1x250x128xf32, #tpu.memory_space<vmem>>
      %dma_wait3A_134 = tpu.memref_squeeze %dma_wait3A_133 : memref<1x250x128xf32, #tpu.memory_space<vmem>> -> memref<250x128xf32, #tpu.memory_space<vmem>>
      %dma_wait3A_135 = arith.constant 0 : i32
      %dma_wait3A_136 = tpu.memref_slice %arg2[%add3A_120, %dma_wait3A_135] : memref<100000x128xf32, #tpu.memory_space<hbm>> -> memref<250x128xf32, #tpu.memory_space<hbm>>
      %dma_wait3A_137 = arith.constant 0 : i32
      %dma_wait3A_138 = arith.constant 0 : i32
      %dma_wait3A_139 = tpu.memref_slice %arg7[%rem3A_111, %dma_wait3A_137, %dma_wait3A_138] : memref<3x250x128xf32, #tpu.memory_space<vmem>> -> memref<1x250x128xf32, #tpu.memory_space<vmem>>
      %dma_wait3A_140 = tpu.memref_squeeze %dma_wait3A_139 : memref<1x250x128xf32, #tpu.memory_space<vmem>> -> memref<250x128xf32, #tpu.memory_space<vmem>>
      %dma_wait3A_141 = arith.constant 0 : i32
      %dma_wait3A_142 = tpu.memref_slice %arg2[%add3A_120, %dma_wait3A_141] : memref<100000x128xf32, #tpu.memory_space<hbm>> -> memref<250x128xf32, #tpu.memory_space<hbm>>
      tpu.wait_dma2 semaphore(%arg9 : memref<!tpu.dma_semaphore, #tpu.memory_space<semaphore_mem>>) src(%dma_wait3A_142 : memref<250x128xf32, #tpu.memory_space<hbm>>) dst(%dma_wait3A_140 : memref<250x128xf32, #tpu.memory_space<vmem>>)
      %add3A_143 = arith.constant 1 : i32
      %add3A_144 = arith.addi %scan3A_108, %add3A_143 : i32
      %lt3A = arith.constant 13 : i32
      %lt3A_145 = arith.cmpi slt, %add3A_144, %lt3A : i32
      %convert_element_type3A = arith.extui %lt3A_145 : i1 to i32
      %cond3A = arith.constant 0 : i32
      %cond3A_146 = arith.cmpi ne, %convert_element_type3A, %cond3A : i32
      scf.if %cond3A_146 {
        %ge3A = arith.constant 2 : i32
        %ge3A_230 = arith.cmpi sge, %scan3A_108, %ge3A : i32
        %convert_element_type3A_231 = arith.extui %ge3A_230 : i1 to i32
        %cond3A_232 = arith.constant 0 : i32
        %cond3A_233 = arith.cmpi ne, %convert_element_type3A_231, %cond3A_232 : i32
        scf.if %cond3A_233 {
          %dma_wait3A_253 = arith.constant 0 : i32
          %dma_wait3A_254 = arith.constant 0 : i32
          %dma_wait3A_255 = tpu.memref_slice %arg7[%rem3A_115, %dma_wait3A_253, %dma_wait3A_254] : memref<3x250x128xf32, #tpu.memory_space<vmem>> -> memref<1x250x128xf32, #tpu.memory_space<vmem>>
          %dma_wait3A_256 = tpu.memref_squeeze %dma_wait3A_255 : memref<1x250x128xf32, #tpu.memory_space<vmem>> -> memref<250x128xf32, #tpu.memory_space<vmem>>
          %dma_wait3A_257 = arith.constant 0 : i32
          %dma_wait3A_258 = tpu.memref_slice %arg5[%add3A_120, %dma_wait3A_257] : memref<100000x128xf32, #tpu.memory_space<hbm>> -> memref<250x128xf32, #tpu.memory_space<hbm>>
          %dma_wait3A_259 = arith.constant 0 : i32
          %dma_wait3A_260 = tpu.memref_slice %arg5[%add3A_120, %dma_wait3A_259] : memref<100000x128xf32, #tpu.memory_space<hbm>> -> memref<250x128xf32, #tpu.memory_space<hbm>>
          %dma_wait3A_261 = arith.constant 0 : i32
          %dma_wait3A_262 = arith.constant 0 : i32
          %dma_wait3A_263 = tpu.memref_slice %arg7[%rem3A_115, %dma_wait3A_261, %dma_wait3A_262] : memref<3x250x128xf32, #tpu.memory_space<vmem>> -> memref<1x250x128xf32, #tpu.memory_space<vmem>>
          %dma_wait3A_264 = tpu.memref_squeeze %dma_wait3A_263 : memref<1x250x128xf32, #tpu.memory_space<vmem>> -> memref<250x128xf32, #tpu.memory_space<vmem>>
          tpu.wait_dma2 semaphore(%arg10 : memref<!tpu.dma_semaphore, #tpu.memory_space<semaphore_mem>>) src(%dma_wait3A_264 : memref<250x128xf32, #tpu.memory_space<vmem>>) dst(%dma_wait3A_260 : memref<250x128xf32, #tpu.memory_space<hbm>>)
        } else {
        }
        %add3A_234 = arith.constant 1 : i32
        %add3A_235 = arith.addi %scan3A_108, %add3A_234 : i32
        %mul3A_236 = arith.constant 250 : i32
        %mul3A_237 = arith.muli %add3A_235, %mul3A_236 : i32
        %min3A_238 = arith.constant 2875 : i32
        %min3A_239 = arith.minsi %mul3A_237, %min3A_238 : i32
        %add3A_240 = arith.addi %mul3A_2, %min3A_239 : i32
        %dma_start3A_241 = arith.constant 0 : i32
        %dma_start3A_242 = arith.constant 0 : i32
        %dma_start3A_243 = tpu.memref_slice %arg7[%rem3A_115, %dma_start3A_241, %dma_start3A_242] : memref<3x250x128xf32, #tpu.memory_space<vmem>> -> memref<1x250x128xf32, #tpu.memory_space<vmem>>
        %dma_start3A_244 = tpu.memref_squeeze %dma_start3A_243 : memref<1x250x128xf32, #tpu.memory_space<vmem>> -> memref<250x128xf32, #tpu.memory_space<vmem>>
        %dma_start3A_245 = arith.constant 0 : i32
        %dma_start3A_246 = tpu.memref_slice %arg2[%add3A_240, %dma_start3A_245] : memref<100000x128xf32, #tpu.memory_space<hbm>> -> memref<250x128xf32, #tpu.memory_space<hbm>>
        %dma_start3A_247 = arith.constant 0 : i32
        %dma_start3A_248 = arith.constant 0 : i32
        %dma_start3A_249 = tpu.memref_slice %arg7[%rem3A_115, %dma_start3A_247, %dma_start3A_248] : memref<3x250x128xf32, #tpu.memory_space<vmem>> -> memref<1x250x128xf32, #tpu.memory_space<vmem>>
        %dma_start3A_250 = tpu.memref_squeeze %dma_start3A_249 : memref<1x250x128xf32, #tpu.memory_space<vmem>> -> memref<250x128xf32, #tpu.memory_space<vmem>>
        %dma_start3A_251 = arith.constant 0 : i32
        %dma_start3A_252 = tpu.memref_slice %arg2[%add3A_240, %dma_start3A_251] : memref<100000x128xf32, #tpu.memory_space<hbm>> -> memref<250x128xf32, #tpu.memory_space<hbm>>
        tpu.enqueue_dma source(%dma_start3A_252 : memref<250x128xf32, #tpu.memory_space<hbm>>) target(%dma_start3A_250 : memref<250x128xf32, #tpu.memory_space<vmem>>) target_semaphore(%arg9 : memref<!tpu.dma_semaphore, #tpu.memory_space<semaphore_mem>>)
      } else {
      }
      %sub3A = arith.subi %scan3A_129#0, %scan3A_109 : i32
      %add3A_147 = arith.constant 64 : i32
      %add3A_148 = arith.addi %sub3A, %add3A_147 : i32
      %sub3A_149 = arith.constant 1 : i32
      %sub3A_150 = arith.subi %add3A_148, %sub3A_149 : i32
      %jit3A = arith.constant 64 : i32
      %div3A = arith.divsi %sub3A_150, %jit3A : i32
      %sign3A = arith.constant 0 : i32
      %sign3A_151 = arith.cmpi sgt, %sub3A_150, %sign3A : i32
      %sign3A_152 = arith.extui %sign3A_151 : i1 to i32
      %sign3A_153 = arith.constant 0 : i32
      %sign3A_154 = arith.cmpi slt, %sub3A_150, %sign3A_153 : i32
      %sign3A_155 = arith.extui %sign3A_154 : i1 to i32
      %sign3A_156 = arith.subi %sign3A_152, %sign3A_155 : i32
      %sign3A_157 = arith.constant 0 : i32
      %sign3A_158 = arith.cmpi sgt, %jit3A, %sign3A_157 : i32
      %sign3A_159 = arith.extui %sign3A_158 : i1 to i32
      %sign3A_160 = arith.constant 0 : i32
      %sign3A_161 = arith.cmpi slt, %jit3A, %sign3A_160 : i32
      %sign3A_162 = arith.extui %sign3A_161 : i1 to i32
      %sign3A_163 = arith.subi %sign3A_159, %sign3A_162 : i32
      %ne3A = arith.cmpi ne, %sign3A_156, %sign3A_163 : i32
      %rem3A_164 = arith.remsi %sub3A_150, %jit3A : i32
      %ne3A_165 = arith.constant 0 : i32
      %ne3A_166 = arith.cmpi ne, %rem3A_164, %ne3A_165 : i32
      %and3A = arith.andi %ne3A, %ne3A_166 : i1
      %sub3A_167 = arith.constant 1 : i32
      %sub3A_168 = arith.subi %div3A, %sub3A_167 : i32
      %select_n3A = arith.select %and3A, %sub3A_168, %div3A : i32
      %dma_wait3A_169 = arith.constant 0 : i32
      %dma_wait3A_170 = tpu.memref_slice %arg8[%dma_wait3A_169] : memref<16384xf32, #tpu.memory_space<vmem>> -> memref<8192xf32, #tpu.memory_space<vmem>>
      %dma_wait3A_171 = arith.constant 0 : i32
      %dma_wait3A_172 = tpu.memref_slice %arg3[%dma_wait3A_171] : memref<2097152xf32, #tpu.memory_space<hbm>> -> memref<8192xf32, #tpu.memory_space<hbm>>
      %dma_wait3A_173 = arith.constant 0 : i32
      %dma_wait3A_174 = tpu.memref_slice %arg8[%dma_wait3A_173] : memref<16384xf32, #tpu.memory_space<vmem>> -> memref<8192xf32, #tpu.memory_space<vmem>>
      %dma_wait3A_175 = arith.constant 0 : i32
      %dma_wait3A_176 = tpu.memref_slice %arg3[%dma_wait3A_175] : memref<2097152xf32, #tpu.memory_space<hbm>> -> memref<8192xf32, #tpu.memory_space<hbm>>
      tpu.wait_dma2 semaphore(%arg11 : memref<!tpu.dma_semaphore, #tpu.memory_space<semaphore_mem>>) src(%dma_wait3A_176 : memref<8192xf32, #tpu.memory_space<hbm>>) dst(%dma_wait3A_174 : memref<8192xf32, #tpu.memory_space<vmem>>)
      %while3A = arith.constant 0 : i32
      %while3A_177 = arith.constant 0.000000e+00 : f32
      %while3A_178 = arith.constant -1 : i32
      %while3A_179 = arith.subi %select_n3A, %while3A : i32
      %while3A_180 = arith.addi %while3A, %while3A_179 : i32
      %while3A_181 = arith.constant 1 : i32
      %while3A_182 = arith.divsi %while3A_179, %while3A_181 : i32
      %while3A_183 = arith.muli %while3A_182, %while3A_181 : i32
      %while3A_184 = arith.addi %while3A, %while3A_183 : i32
      %while3A_185 = arith.constant 1 : i32
      %while3A_186:10 = scf.for %while3A_230 = %while3A to %while3A_184 step %while3A_185 iter_args(%while3A_231 = %broadcast_in_dim3A_32, %while3A_232 = %broadcast_in_dim3A_34, %while3A_233 = %broadcast_in_dim3A_36, %while3A_234 = %broadcast_in_dim3A_38, %while3A_235 = %broadcast_in_dim3A_40, %while3A_236 = %broadcast_in_dim3A_42, %while3A_237 = %broadcast_in_dim3A_44, %while3A_238 = %broadcast_in_dim3A_46, %while3A_239 = %while3A_177, %while3A_240 = %while3A_178) -> (vector<16xf32>, vector<16xf32>, vector<16xf32>, vector<16xf32>, vector<16xf32>, vector<16xf32>, vector<16xf32>, vector<16xf32>, f32, i32)  : i32 {
        %mul3A_241 = arith.constant 64 : i32
        %mul3A_242 = arith.muli %while3A_230, %mul3A_241 : i32
        %add3A_243 = arith.addi %scan3A_109, %mul3A_242 : i32
        %min3A_244 = arith.constant 16320 : i32
        %min3A_245 = arith.minsi %add3A_243, %min3A_244 : i32
        %add3A_246 = arith.constant 64 : i32
        %add3A_247 = arith.addi %add3A_243, %add3A_246 : i32
        %min3A_248 = arith.minsi %add3A_247, %scan3A_129#0 : i32
        %add3A_249 = arith.addi %scan3A_108, %while3A_230 : i32
        %rem3A_250 = arith.constant 2 : i32
        %rem3A_251 = arith.remsi %add3A_249, %rem3A_250 : i32
        %ge3A = arith.constant 1 : i32
        %ge3A_252 = arith.cmpi sge, %while3A_230, %ge3A : i32
        %convert_element_type3A_253 = arith.extui %ge3A_252 : i1 to i32
        %cond3A_254 = arith.constant 0 : i32
        %cond3A_255 = arith.cmpi ne, %convert_element_type3A_253, %cond3A_254 : i32
        scf.if %cond3A_255 {
          %mul3A_270 = arith.constant 128 : i32
          %mul3A_271 = arith.muli %min3A_245, %mul3A_270 : i32
          %mul3A_272 = arith.constant 64 : i32
          %mul3A_273 = arith.muli %rem3A_251, %mul3A_272 : i32
          %mul3A_274 = arith.constant 128 : i32
          %mul3A_275 = arith.muli %mul3A_273, %mul3A_274 : i32
          "tpu.region"() ({
            %run_scoped3A = tpu.sem_alloc : memref<!tpu.dma_semaphore, #tpu.memory_space<semaphore_mem>>
            %dma_start3A_276 = tpu.memref_slice %arg8[%mul3A_275] : memref<16384xf32, #tpu.memory_space<vmem>> -> memref<8192xf32, #tpu.memory_space<vmem>>
            %dma_start3A_277 = tpu.memref_slice %arg3[%mul3A_271] : memref<2097152xf32, #tpu.memory_space<hbm>> -> memref<8192xf32, #tpu.memory_space<hbm>>
            %dma_start3A_278 = tpu.memref_slice %arg8[%mul3A_275] : memref<16384xf32, #tpu.memory_space<vmem>> -> memref<8192xf32, #tpu.memory_space<vmem>>
            %dma_start3A_279 = tpu.memref_slice %arg3[%mul3A_271] : memref<2097152xf32, #tpu.memory_space<hbm>> -> memref<8192xf32, #tpu.memory_space<hbm>>
            tpu.enqueue_dma source(%dma_start3A_279 : memref<8192xf32, #tpu.memory_space<hbm>>) target(%dma_start3A_278 : memref<8192xf32, #tpu.memory_space<vmem>>) target_semaphore(%run_scoped3A : memref<!tpu.dma_semaphore, #tpu.memory_space<semaphore_mem>>)
            %dma_wait3A_280 = tpu.memref_slice %arg8[%mul3A_275] : memref<16384xf32, #tpu.memory_space<vmem>> -> memref<8192xf32, #tpu.memory_space<vmem>>
            %dma_wait3A_281 = tpu.memref_slice %arg3[%mul3A_271] : memref<2097152xf32, #tpu.memory_space<hbm>> -> memref<8192xf32, #tpu.memory_space<hbm>>
            %dma_wait3A_282 = tpu.memref_slice %arg8[%mul3A_275] : memref<16384xf32, #tpu.memory_space<vmem>> -> memref<8192xf32, #tpu.memory_space<vmem>>
            %dma_wait3A_283 = tpu.memref_slice %arg3[%mul3A_271] : memref<2097152xf32, #tpu.memory_space<hbm>> -> memref<8192xf32, #tpu.memory_space<hbm>>
            tpu.wait_dma2 semaphore(%run_scoped3A : memref<!tpu.dma_semaphore, #tpu.memory_space<semaphore_mem>>) src(%dma_wait3A_283 : memref<8192xf32, #tpu.memory_space<hbm>>) dst(%dma_wait3A_282 : memref<8192xf32, #tpu.memory_space<vmem>>)
            tpu.yield
          }) : () -> ()
        } else {
        }
        %mul3A_256 = arith.constant 64 : i32
        %mul3A_257 = arith.muli %rem3A_251, %mul3A_256 : i32
        %mul3A_258 = arith.constant 128 : i32
        %mul3A_259 = arith.muli %mul3A_257, %mul3A_258 : i32
        %while3A_260 = arith.subi %min3A_248, %add3A_243 : i32
        %while3A_261 = arith.addi %add3A_243, %while3A_260 : i32
        %while3A_262 = arith.constant 1 : i32
        %while3A_263 = arith.divsi %while3A_260, %while3A_262 : i32
        %while3A_264 = arith.muli %while3A_263, %while3A_262 : i32
        %while3A_265 = arith.addi %add3A_243, %while3A_264 : i32
        %while3A_266 = arith.constant 1 : i32
        %while3A_267:10 = scf.for %while3A_270 = %add3A_243 to %while3A_265 step %while3A_266 iter_args(%while3A_271 = %while3A_231, %while3A_272 = %while3A_232, %while3A_273 = %while3A_233, %while3A_274 = %while3A_234, %while3A_275 = %while3A_235, %while3A_276 = %while3A_236, %while3A_277 = %while3A_237, %while3A_278 = %while3A_238, %while3A_279 = %while3A_239, %while3A_280 = %while3A_240) -> (vector<16xf32>, vector<16xf32>, vector<16xf32>, vector<16xf32>, vector<16xf32>, vector<16xf32>, vector<16xf32>, vector<16xf32>, f32, i32)  : i32 {
          %get3A = arith.index_cast %while3A_270 : i32 to index
          %get3A_281 = tpu.vector_load %arg6[%get3A] {strides = array<i32>} : memref<16400xi32, #tpu.memory_space<vmem>>, vector<16xi32>,
          %slice3A = vector.extract_strided_slice %get3A_281 {offsets = [0], sizes = [1], strides = [1]} : vector<16xi32> to vector<1xi32>
          %squeeze3A = vector.extract %slice3A[0] : i32 from vector<1xi32>
          %sub3A_282 = arith.subi %while3A_270, %min3A_245 : i32
          %mul3A_283 = arith.constant 128 : i32
          %mul3A_284 = arith.muli %sub3A_282, %mul3A_283 : i32
          %add3A_285 = arith.addi %mul3A_259, %mul3A_284 : i32
          %add3A_286 = arith.constant 0 : i32
          %add3A_287 = arith.addi %add3A_285, %add3A_286 : i32
          %get3A_288 = arith.index_cast %add3A_287 : i32 to index
          %get3A_289 = tpu.vector_load %arg8[%get3A_288] {strides = array<i32>} : memref<16384xf32, #tpu.memory_space<vmem>>, vector<16xf32>,
          %mul3A_290 = arith.constant 128 : i32
          %mul3A_291 = arith.muli %sub3A_282, %mul3A_290 : i32
          %add3A_292 = arith.addi %mul3A_259, %mul3A_291 : i32
          %add3A_293 = arith.constant 16 : i32
          %add3A_294 = arith.addi %add3A_292, %add3A_293 : i32
          %get3A_295 = arith.index_cast %add3A_294 : i32 to index
          %get3A_296 = tpu.vector_load %arg8[%get3A_295] {strides = array<i32>} : memref<16384xf32, #tpu.memory_space<vmem>>, vector<16xf32>,
          %mul3A_297 = arith.constant 128 : i32
          %mul3A_298 = arith.muli %sub3A_282, %mul3A_297 : i32
          %add3A_299 = arith.addi %mul3A_259, %mul3A_298 : i32
          %add3A_300 = arith.constant 32 : i32
          %add3A_301 = arith.addi %add3A_299, %add3A_300 : i32
          %get3A_302 = arith.index_cast %add3A_301 : i32 to index
          %get3A_303 = tpu.vector_load %arg8[%get3A_302] {strides = array<i32>} : memref<16384xf32, #tpu.memory_space<vmem>>, vector<16xf32>,
          %mul3A_304 = arith.constant 128 : i32
          %mul3A_305 = arith.muli %sub3A_282, %mul3A_304 : i32
          %add3A_306 = arith.addi %mul3A_259, %mul3A_305 : i32
          %add3A_307 = arith.constant 48 : i32
          %add3A_308 = arith.addi %add3A_306, %add3A_307 : i32
          %get3A_309 = arith.index_cast %add3A_308 : i32 to index
          %get3A_310 = tpu.vector_load %arg8[%get3A_309] {strides = array<i32>} : memref<16384xf32, #tpu.memory_space<vmem>>, vector<16xf32>,
          %mul3A_311 = arith.constant 128 : i32
          %mul3A_312 = arith.muli %sub3A_282, %mul3A_311 : i32
          %add3A_313 = arith.addi %mul3A_259, %mul3A_312 : i32
          %add3A_314 = arith.constant 64 : i32
          %add3A_315 = arith.addi %add3A_313, %add3A_314 : i32
          %get3A_316 = arith.index_cast %add3A_315 : i32 to index
          %get3A_317 = tpu.vector_load %arg8[%get3A_316] {strides = array<i32>} : memref<16384xf32, #tpu.memory_space<vmem>>, vector<16xf32>,
          %mul3A_318 = arith.constant 128 : i32
          %mul3A_319 = arith.muli %sub3A_282, %mul3A_318 : i32
          %add3A_320 = arith.addi %mul3A_259, %mul3A_319 : i32
          %add3A_321 = arith.constant 80 : i32
          %add3A_322 = arith.addi %add3A_320, %add3A_321 : i32
          %get3A_323 = arith.index_cast %add3A_322 : i32 to index
          %get3A_324 = tpu.vector_load %arg8[%get3A_323] {strides = array<i32>} : memref<16384xf32, #tpu.memory_space<vmem>>, vector<16xf32>,
          %mul3A_325 = arith.constant 128 : i32
          %mul3A_326 = arith.muli %sub3A_282, %mul3A_325 : i32
          %add3A_327 = arith.addi %mul3A_259, %mul3A_326 : i32
          %add3A_328 = arith.constant 96 : i32
          %add3A_329 = arith.addi %add3A_327, %add3A_328 : i32
          %get3A_330 = arith.index_cast %add3A_329 : i32 to index
          %get3A_331 = tpu.vector_load %arg8[%get3A_330] {strides = array<i32>} : memref<16384xf32, #tpu.memory_space<vmem>>, vector<16xf32>,
          %mul3A_332 = arith.constant 128 : i32
          %mul3A_333 = arith.muli %sub3A_282, %mul3A_332 : i32
          %add3A_334 = arith.addi %mul3A_259, %mul3A_333 : i32
          %add3A_335 = arith.constant 112 : i32
          %add3A_336 = arith.addi %add3A_334, %add3A_335 : i32
          %get3A_337 = arith.index_cast %add3A_336 : i32 to index
          %get3A_338 = tpu.vector_load %arg8[%get3A_337] {strides = array<i32>} : memref<16384xf32, #tpu.memory_space<vmem>>, vector<16xf32>,
          %ne3A_339 = arith.cmpi ne, %squeeze3A, %while3A_280 : i32
          %gt3A_340 = arith.constant 0.000000e+00 : f32
          %gt3A_341 = arith.cmpf ogt, %while3A_279, %gt3A_340 : f32
          %and3A_342 = arith.andi %ne3A_339, %gt3A_341 : i1
          %convert_element_type3A_343 = arith.extui %and3A_342 : i1 to i32
          %cond3A_344 = arith.constant 0 : i32
          %cond3A_345 = arith.cmpi ne, %convert_element_type3A_343, %cond3A_344 : i32
          scf.if %cond3A_345 {
            %broadcast_in_dim3A_366 = arith.constant 1.000000e+00 : f32
            %broadcast_in_dim3A_367 = vector.broadcast %broadcast_in_dim3A_366 : f32 to vector<16xf32>
            %broadcast_in_dim3A_368 = vector.broadcast %while3A_279 : f32 to vector<16xf32>
            %div3A_369 = arith.divf %broadcast_in_dim3A_367, %broadcast_in_dim3A_368 : vector<16xf32>
            %sub3A_370 = arith.subi %while3A_280, %add3A_120 : i32
            %broadcast_in_dim3A_371 = vector.broadcast %sub3A_370 : i32 to vector<16xi32>
            %broadcast_in_dim3A_372 = vector.broadcast %rem3A_111 : i32 to vector<16xi32>
            %add3A_373 = arith.constant 0 : i32
            %add3A_374 = vector.broadcast %add3A_373 : i32 to vector<16xi32>
            %add3A_375 = arith.addi %add3A_374, %iota3A : vector<16xi32>
            %mul3A_376 = arith.mulf %while3A_271, %div3A_369 : vector<16xf32>
            tpu.vector_store_idx %arg7[%broadcast_in_dim3A_372, %broadcast_in_dim3A_371, %add3A_375], %mul3A_376 : memref<3x250x128xf32, #tpu.memory_space<vmem>>[vector<16xi32>, vector<16xi32>, vector<16xi32>], vector<16xf32>,
            %broadcast_in_dim3A_377 = vector.broadcast %rem3A_111 : i32 to vector<16xi32>
            %add3A_378 = arith.constant 16 : i32
            %add3A_379 = vector.broadcast %add3A_378 : i32 to vector<16xi32>
            %add3A_380 = arith.addi %add3A_379, %iota3A : vector<16xi32>
            %mul3A_381 = arith.mulf %while3A_272, %div3A_369 : vector<16xf32>
            tpu.vector_store_idx %arg7[%broadcast_in_dim3A_377, %broadcast_in_dim3A_371, %add3A_380], %mul3A_381 : memref<3x250x128xf32, #tpu.memory_space<vmem>>[vector<16xi32>, vector<16xi32>, vector<16xi32>], vector<16xf32>,
            %broadcast_in_dim3A_382 = vector.broadcast %rem3A_111 : i32 to vector<16xi32>
            %add3A_383 = arith.constant 32 : i32
            %add3A_384 = vector.broadcast %add3A_383 : i32 to vector<16xi32>
            %add3A_385 = arith.addi %add3A_384, %iota3A : vector<16xi32>
            %mul3A_386 = arith.mulf %while3A_273, %div3A_369 : vector<16xf32>
            tpu.vector_store_idx %arg7[%broadcast_in_dim3A_382, %broadcast_in_dim3A_371, %add3A_385], %mul3A_386 : memref<3x250x128xf32, #tpu.memory_space<vmem>>[vector<16xi32>, vector<16xi32>, vector<16xi32>], vector<16xf32>,
            %broadcast_in_dim3A_387 = vector.broadcast %rem3A_111 : i32 to vector<16xi32>
            %add3A_388 = arith.constant 48 : i32
            %add3A_389 = vector.broadcast %add3A_388 : i32 to vector<16xi32>
            %add3A_390 = arith.addi %add3A_389, %iota3A : vector<16xi32>
            %mul3A_391 = arith.mulf %while3A_274, %div3A_369 : vector<16xf32>
            tpu.vector_store_idx %arg7[%broadcast_in_dim3A_387, %broadcast_in_dim3A_371, %add3A_390], %mul3A_391 : memref<3x250x128xf32, #tpu.memory_space<vmem>>[vector<16xi32>, vector<16xi32>, vector<16xi32>], vector<16xf32>,
            %broadcast_in_dim3A_392 = vector.broadcast %rem3A_111 : i32 to vector<16xi32>
            %add3A_393 = arith.constant 64 : i32
            %add3A_394 = vector.broadcast %add3A_393 : i32 to vector<16xi32>
            %add3A_395 = arith.addi %add3A_394, %iota3A : vector<16xi32>
            %mul3A_396 = arith.mulf %while3A_275, %div3A_369 : vector<16xf32>
            tpu.vector_store_idx %arg7[%broadcast_in_dim3A_392, %broadcast_in_dim3A_371, %add3A_395], %mul3A_396 : memref<3x250x128xf32, #tpu.memory_space<vmem>>[vector<16xi32>, vector<16xi32>, vector<16xi32>], vector<16xf32>,
            %broadcast_in_dim3A_397 = vector.broadcast %rem3A_111 : i32 to vector<16xi32>
            %add3A_398 = arith.constant 80 : i32
            %add3A_399 = vector.broadcast %add3A_398 : i32 to vector<16xi32>
            %add3A_400 = arith.addi %add3A_399, %iota3A : vector<16xi32>
            %mul3A_401 = arith.mulf %while3A_276, %div3A_369 : vector<16xf32>
            tpu.vector_store_idx %arg7[%broadcast_in_dim3A_397, %broadcast_in_dim3A_371, %add3A_400], %mul3A_401 : memref<3x250x128xf32, #tpu.memory_space<vmem>>[vector<16xi32>, vector<16xi32>, vector<16xi32>], vector<16xf32>,
            %broadcast_in_dim3A_402 = vector.broadcast %rem3A_111 : i32 to vector<16xi32>
            %add3A_403 = arith.constant 96 : i32
            %add3A_404 = vector.broadcast %add3A_403 : i32 to vector<16xi32>
            %add3A_405 = arith.addi %add3A_404, %iota3A : vector<16xi32>
            %mul3A_406 = arith.mulf %while3A_277, %div3A_369 : vector<16xf32>
            tpu.vector_store_idx %arg7[%broadcast_in_dim3A_402, %broadcast_in_dim3A_371, %add3A_405], %mul3A_406 : memref<3x250x128xf32, #tpu.memory_space<vmem>>[vector<16xi32>, vector<16xi32>, vector<16xi32>], vector<16xf32>,
            %broadcast_in_dim3A_407 = vector.broadcast %rem3A_111 : i32 to vector<16xi32>
            %add3A_408 = arith.constant 112 : i32
            %add3A_409 = vector.broadcast %add3A_408 : i32 to vector<16xi32>
            %add3A_410 = arith.addi %add3A_409, %iota3A : vector<16xi32>
            %mul3A_411 = arith.mulf %while3A_278, %div3A_369 : vector<16xf32>
            tpu.vector_store_idx %arg7[%broadcast_in_dim3A_407, %broadcast_in_dim3A_371, %add3A_410], %mul3A_411 : memref<3x250x128xf32, #tpu.memory_space<vmem>>[vector<16xi32>, vector<16xi32>, vector<16xi32>], vector<16xf32>,
          } else {
          }
          %add3A_346 = arith.addf %while3A_271, %get3A_289 : vector<16xf32>
          %select_n3A_347 = arith.select %ne3A_339, %get3A_289, %add3A_346 : vector<16xf32>
          %add3A_348 = arith.addf %while3A_272, %get3A_296 : vector<16xf32>
          %select_n3A_349 = arith.select %ne3A_339, %get3A_296, %add3A_348 : vector<16xf32>
          %add3A_350 = arith.addf %while3A_273, %get3A_303 : vector<16xf32>
          %select_n3A_351 = arith.select %ne3A_339, %get3A_303, %add3A_350 : vector<16xf32>
          %add3A_352 = arith.addf %while3A_274, %get3A_310 : vector<16xf32>
          %select_n3A_353 = arith.select %ne3A_339, %get3A_310, %add3A_352 : vector<16xf32>
          %add3A_354 = arith.addf %while3A_275, %get3A_317 : vector<16xf32>
          %select_n3A_355 = arith.select %ne3A_339, %get3A_317, %add3A_354 : vector<16xf32>
          %add3A_356 = arith.addf %while3A_276, %get3A_324 : vector<16xf32>
          %select_n3A_357 = arith.select %ne3A_339, %get3A_324, %add3A_356 : vector<16xf32>
          %add3A_358 = arith.addf %while3A_277, %get3A_331 : vector<16xf32>
          %select_n3A_359 = arith.select %ne3A_339, %get3A_331, %add3A_358 : vector<16xf32>
          %add3A_360 = arith.addf %while3A_278, %get3A_338 : vector<16xf32>
          %select_n3A_361 = arith.select %ne3A_339, %get3A_338, %add3A_360 : vector<16xf32>
          %add3A_362 = arith.constant 1.000000e+00 : f32
          %add3A_363 = arith.addf %while3A_279, %add3A_362 : f32
          %jit3A_364 = arith.constant 1.000000e+00 : f32
          %select_n3A_365 = arith.select %ne3A_339, %jit3A_364, %add3A_363 : f32
          scf.yield %select_n3A_347, %select_n3A_349, %select_n3A_351, %select_n3A_353, %select_n3A_355, %select_n3A_357, %select_n3A_359, %select_n3A_361, %select_n3A_365, %squeeze3A : vector<16xf32>, vector<16xf32>, vector<16xf32>, vector<16xf32>, vector<16xf32>, vector<16xf32>, vector<16xf32>, vector<16xf32>, f32, i32
        }
        %while3A_268 = arith.constant 1 : i32
        %while3A_269:10 = scf.for %while3A_270 = %while3A_265 to %while3A_261 step %while3A_268 iter_args(%while3A_271 = %while3A_267#0, %while3A_272 = %while3A_267#1, %while3A_273 = %while3A_267#2, %while3A_274 = %while3A_267#3, %while3A_275 = %while3A_267#4, %while3A_276 = %while3A_267#5, %while3A_277 = %while3A_267#6, %while3A_278 = %while3A_267#7, %while3A_279 = %while3A_267#8, %while3A_280 = %while3A_267#9) -> (vector<16xf32>, vector<16xf32>, vector<16xf32>, vector<16xf32>, vector<16xf32>, vector<16xf32>, vector<16xf32>, vector<16xf32>, f32, i32)  : i32 {
          %get3A = arith.index_cast %while3A_270 : i32 to index
          %get3A_281 = tpu.vector_load %arg6[%get3A] {strides = array<i32>} : memref<16400xi32, #tpu.memory_space<vmem>>, vector<16xi32>,
          %slice3A = vector.extract_strided_slice %get3A_281 {offsets = [0], sizes = [1], strides = [1]} : vector<16xi32> to vector<1xi32>
          %squeeze3A = vector.extract %slice3A[0] : i32 from vector<1xi32>
          %sub3A_282 = arith.subi %while3A_270, %min3A_245 : i32
          %mul3A_283 = arith.constant 128 : i32
          %mul3A_284 = arith.muli %sub3A_282, %mul3A_283 : i32
          %add3A_285 = arith.addi %mul3A_259, %mul3A_284 : i32
          %add3A_286 = arith.constant 0 : i32
          %add3A_287 = arith.addi %add3A_285, %add3A_286 : i32
          %get3A_288 = arith.index_cast %add3A_287 : i32 to index
          %get3A_289 = tpu.vector_load %arg8[%get3A_288] {strides = array<i32>} : memref<16384xf32, #tpu.memory_space<vmem>>, vector<16xf32>,
          %mul3A_290 = arith.constant 128 : i32
          %mul3A_291 = arith.muli %sub3A_282, %mul3A_290 : i32
          %add3A_292 = arith.addi %mul3A_259, %mul3A_291 : i32
          %add3A_293 = arith.constant 16 : i32
          %add3A_294 = arith.addi %add3A_292, %add3A_293 : i32
          %get3A_295 = arith.index_cast %add3A_294 : i32 to index
          %get3A_296 = tpu.vector_load %arg8[%get3A_295] {strides = array<i32>} : memref<16384xf32, #tpu.memory_space<vmem>>, vector<16xf32>,
          %mul3A_297 = arith.constant 128 : i32
          %mul3A_298 = arith.muli %sub3A_282, %mul3A_297 : i32
          %add3A_299 = arith.addi %mul3A_259, %mul3A_298 : i32
          %add3A_300 = arith.constant 32 : i32
          %add3A_301 = arith.addi %add3A_299, %add3A_300 : i32
          %get3A_302 = arith.index_cast %add3A_301 : i32 to index
          %get3A_303 = tpu.vector_load %arg8[%get3A_302] {strides = array<i32>} : memref<16384xf32, #tpu.memory_space<vmem>>, vector<16xf32>,
          %mul3A_304 = arith.constant 128 : i32
          %mul3A_305 = arith.muli %sub3A_282, %mul3A_304 : i32
          %add3A_306 = arith.addi %mul3A_259, %mul3A_305 : i32
          %add3A_307 = arith.constant 48 : i32
          %add3A_308 = arith.addi %add3A_306, %add3A_307 : i32
          %get3A_309 = arith.index_cast %add3A_308 : i32 to index
          %get3A_310 = tpu.vector_load %arg8[%get3A_309] {strides = array<i32>} : memref<16384xf32, #tpu.memory_space<vmem>>, vector<16xf32>,
          %mul3A_311 = arith.constant 128 : i32
          %mul3A_312 = arith.muli %sub3A_282, %mul3A_311 : i32
          %add3A_313 = arith.addi %mul3A_259, %mul3A_312 : i32
          %add3A_314 = arith.constant 64 : i32
          %add3A_315 = arith.addi %add3A_313, %add3A_314 : i32
          %get3A_316 = arith.index_cast %add3A_315 : i32 to index
          %get3A_317 = tpu.vector_load %arg8[%get3A_316] {strides = array<i32>} : memref<16384xf32, #tpu.memory_space<vmem>>, vector<16xf32>,
          %mul3A_318 = arith.constant 128 : i32
          %mul3A_319 = arith.muli %sub3A_282, %mul3A_318 : i32
          %add3A_320 = arith.addi %mul3A_259, %mul3A_319 : i32
          %add3A_321 = arith.constant 80 : i32
          %add3A_322 = arith.addi %add3A_320, %add3A_321 : i32
          %get3A_323 = arith.index_cast %add3A_322 : i32 to index
          %get3A_324 = tpu.vector_load %arg8[%get3A_323] {strides = array<i32>} : memref<16384xf32, #tpu.memory_space<vmem>>, vector<16xf32>,
          %mul3A_325 = arith.constant 128 : i32
          %mul3A_326 = arith.muli %sub3A_282, %mul3A_325 : i32
          %add3A_327 = arith.addi %mul3A_259, %mul3A_326 : i32
          %add3A_328 = arith.constant 96 : i32
          %add3A_329 = arith.addi %add3A_327, %add3A_328 : i32
          %get3A_330 = arith.index_cast %add3A_329 : i32 to index
          %get3A_331 = tpu.vector_load %arg8[%get3A_330] {strides = array<i32>} : memref<16384xf32, #tpu.memory_space<vmem>>, vector<16xf32>,
          %mul3A_332 = arith.constant 128 : i32
          %mul3A_333 = arith.muli %sub3A_282, %mul3A_332 : i32
          %add3A_334 = arith.addi %mul3A_259, %mul3A_333 : i32
          %add3A_335 = arith.constant 112 : i32
          %add3A_336 = arith.addi %add3A_334, %add3A_335 : i32
          %get3A_337 = arith.index_cast %add3A_336 : i32 to index
          %get3A_338 = tpu.vector_load %arg8[%get3A_337] {strides = array<i32>} : memref<16384xf32, #tpu.memory_space<vmem>>, vector<16xf32>,
          %ne3A_339 = arith.cmpi ne, %squeeze3A, %while3A_280 : i32
          %gt3A_340 = arith.constant 0.000000e+00 : f32
          %gt3A_341 = arith.cmpf ogt, %while3A_279, %gt3A_340 : f32
          %and3A_342 = arith.andi %ne3A_339, %gt3A_341 : i1
          %convert_element_type3A_343 = arith.extui %and3A_342 : i1 to i32
          %cond3A_344 = arith.constant 0 : i32
          %cond3A_345 = arith.cmpi ne, %convert_element_type3A_343, %cond3A_344 : i32
          scf.if %cond3A_345 {
            %broadcast_in_dim3A_366 = arith.constant 1.000000e+00 : f32
            %broadcast_in_dim3A_367 = vector.broadcast %broadcast_in_dim3A_366 : f32 to vector<16xf32>
            %broadcast_in_dim3A_368 = vector.broadcast %while3A_279 : f32 to vector<16xf32>
            %div3A_369 = arith.divf %broadcast_in_dim3A_367, %broadcast_in_dim3A_368 : vector<16xf32>
            %sub3A_370 = arith.subi %while3A_280, %add3A_120 : i32
            %broadcast_in_dim3A_371 = vector.broadcast %sub3A_370 : i32 to vector<16xi32>
            %broadcast_in_dim3A_372 = vector.broadcast %rem3A_111 : i32 to vector<16xi32>
            %add3A_373 = arith.constant 0 : i32
            %add3A_374 = vector.broadcast %add3A_373 : i32 to vector<16xi32>
            %add3A_375 = arith.addi %add3A_374, %iota3A : vector<16xi32>
            %mul3A_376 = arith.mulf %while3A_271, %div3A_369 : vector<16xf32>
            tpu.vector_store_idx %arg7[%broadcast_in_dim3A_372, %broadcast_in_dim3A_371, %add3A_375], %mul3A_376 : memref<3x250x128xf32, #tpu.memory_space<vmem>>[vector<16xi32>, vector<16xi32>, vector<16xi32>], vector<16xf32>,
            %broadcast_in_dim3A_377 = vector.broadcast %rem3A_111 : i32 to vector<16xi32>
            %add3A_378 = arith.constant 16 : i32
            %add3A_379 = vector.broadcast %add3A_378 : i32 to vector<16xi32>
            %add3A_380 = arith.addi %add3A_379, %iota3A : vector<16xi32>
            %mul3A_381 = arith.mulf %while3A_272, %div3A_369 : vector<16xf32>
            tpu.vector_store_idx %arg7[%broadcast_in_dim3A_377, %broadcast_in_dim3A_371, %add3A_380], %mul3A_381 : memref<3x250x128xf32, #tpu.memory_space<vmem>>[vector<16xi32>, vector<16xi32>, vector<16xi32>], vector<16xf32>,
            %broadcast_in_dim3A_382 = vector.broadcast %rem3A_111 : i32 to vector<16xi32>
            %add3A_383 = arith.constant 32 : i32
            %add3A_384 = vector.broadcast %add3A_383 : i32 to vector<16xi32>
            %add3A_385 = arith.addi %add3A_384, %iota3A : vector<16xi32>
            %mul3A_386 = arith.mulf %while3A_273, %div3A_369 : vector<16xf32>
            tpu.vector_store_idx %arg7[%broadcast_in_dim3A_382, %broadcast_in_dim3A_371, %add3A_385], %mul3A_386 : memref<3x250x128xf32, #tpu.memory_space<vmem>>[vector<16xi32>, vector<16xi32>, vector<16xi32>], vector<16xf32>,
            %broadcast_in_dim3A_387 = vector.broadcast %rem3A_111 : i32 to vector<16xi32>
            %add3A_388 = arith.constant 48 : i32
            %add3A_389 = vector.broadcast %add3A_388 : i32 to vector<16xi32>
            %add3A_390 = arith.addi %add3A_389, %iota3A : vector<16xi32>
            %mul3A_391 = arith.mulf %while3A_274, %div3A_369 : vector<16xf32>
            tpu.vector_store_idx %arg7[%broadcast_in_dim3A_387, %broadcast_in_dim3A_371, %add3A_390], %mul3A_391 : memref<3x250x128xf32, #tpu.memory_space<vmem>>[vector<16xi32>, vector<16xi32>, vector<16xi32>], vector<16xf32>,
            %broadcast_in_dim3A_392 = vector.broadcast %rem3A_111 : i32 to vector<16xi32>
            %add3A_393 = arith.constant 64 : i32
            %add3A_394 = vector.broadcast %add3A_393 : i32 to vector<16xi32>
            %add3A_395 = arith.addi %add3A_394, %iota3A : vector<16xi32>
            %mul3A_396 = arith.mulf %while3A_275, %div3A_369 : vector<16xf32>
            tpu.vector_store_idx %arg7[%broadcast_in_dim3A_392, %broadcast_in_dim3A_371, %add3A_395], %mul3A_396 : memref<3x250x128xf32, #tpu.memory_space<vmem>>[vector<16xi32>, vector<16xi32>, vector<16xi32>], vector<16xf32>,
            %broadcast_in_dim3A_397 = vector.broadcast %rem3A_111 : i32 to vector<16xi32>
            %add3A_398 = arith.constant 80 : i32
            %add3A_399 = vector.broadcast %add3A_398 : i32 to vector<16xi32>
            %add3A_400 = arith.addi %add3A_399, %iota3A : vector<16xi32>
            %mul3A_401 = arith.mulf %while3A_276, %div3A_369 : vector<16xf32>
            tpu.vector_store_idx %arg7[%broadcast_in_dim3A_397, %broadcast_in_dim3A_371, %add3A_400], %mul3A_401 : memref<3x250x128xf32, #tpu.memory_space<vmem>>[vector<16xi32>, vector<16xi32>, vector<16xi32>], vector<16xf32>,
            %broadcast_in_dim3A_402 = vector.broadcast %rem3A_111 : i32 to vector<16xi32>
            %add3A_403 = arith.constant 96 : i32
            %add3A_404 = vector.broadcast %add3A_403 : i32 to vector<16xi32>
            %add3A_405 = arith.addi %add3A_404, %iota3A : vector<16xi32>
            %mul3A_406 = arith.mulf %while3A_277, %div3A_369 : vector<16xf32>
            tpu.vector_store_idx %arg7[%broadcast_in_dim3A_402, %broadcast_in_dim3A_371, %add3A_405], %mul3A_406 : memref<3x250x128xf32, #tpu.memory_space<vmem>>[vector<16xi32>, vector<16xi32>, vector<16xi32>], vector<16xf32>,
            %broadcast_in_dim3A_407 = vector.broadcast %rem3A_111 : i32 to vector<16xi32>
            %add3A_408 = arith.constant 112 : i32
            %add3A_409 = vector.broadcast %add3A_408 : i32 to vector<16xi32>
            %add3A_410 = arith.addi %add3A_409, %iota3A : vector<16xi32>
            %mul3A_411 = arith.mulf %while3A_278, %div3A_369 : vector<16xf32>
            tpu.vector_store_idx %arg7[%broadcast_in_dim3A_407, %broadcast_in_dim3A_371, %add3A_410], %mul3A_411 : memref<3x250x128xf32, #tpu.memory_space<vmem>>[vector<16xi32>, vector<16xi32>, vector<16xi32>], vector<16xf32>,
          } else {
          }
          %add3A_346 = arith.addf %while3A_271, %get3A_289 : vector<16xf32>
          %select_n3A_347 = arith.select %ne3A_339, %get3A_289, %add3A_346 : vector<16xf32>
          %add3A_348 = arith.addf %while3A_272, %get3A_296 : vector<16xf32>
          %select_n3A_349 = arith.select %ne3A_339, %get3A_296, %add3A_348 : vector<16xf32>
          %add3A_350 = arith.addf %while3A_273, %get3A_303 : vector<16xf32>
          %select_n3A_351 = arith.select %ne3A_339, %get3A_303, %add3A_350 : vector<16xf32>
          %add3A_352 = arith.addf %while3A_274, %get3A_310 : vector<16xf32>
          %select_n3A_353 = arith.select %ne3A_339, %get3A_310, %add3A_352 : vector<16xf32>
          %add3A_354 = arith.addf %while3A_275, %get3A_317 : vector<16xf32>
          %select_n3A_355 = arith.select %ne3A_339, %get3A_317, %add3A_354 : vector<16xf32>
          %add3A_356 = arith.addf %while3A_276, %get3A_324 : vector<16xf32>
          %select_n3A_357 = arith.select %ne3A_339, %get3A_324, %add3A_356 : vector<16xf32>
          %add3A_358 = arith.addf %while3A_277, %get3A_331 : vector<16xf32>
          %select_n3A_359 = arith.select %ne3A_339, %get3A_331, %add3A_358 : vector<16xf32>
          %add3A_360 = arith.addf %while3A_278, %get3A_338 : vector<16xf32>
          %select_n3A_361 = arith.select %ne3A_339, %get3A_338, %add3A_360 : vector<16xf32>
          %add3A_362 = arith.constant 1.000000e+00 : f32
          %add3A_363 = arith.addf %while3A_279, %add3A_362 : f32
          %jit3A_364 = arith.constant 1.000000e+00 : f32
          %select_n3A_365 = arith.select %ne3A_339, %jit3A_364, %add3A_363 : f32
          scf.yield %select_n3A_347, %select_n3A_349, %select_n3A_351, %select_n3A_353, %select_n3A_355, %select_n3A_357, %select_n3A_359, %select_n3A_361, %select_n3A_365, %squeeze3A : vector<16xf32>, vector<16xf32>, vector<16xf32>, vector<16xf32>, vector<16xf32>, vector<16xf32>, vector<16xf32>, vector<16xf32>, f32, i32
        }
        scf.yield %while3A_269#0, %while3A_269#1, %while3A_269#2, %while3A_269#3, %while3A_269#4, %while3A_269#5, %while3A_269#6, %while3A_269#7, %while3A_269#8, %while3A_269#9 : vector<16xf32>, vector<16xf32>, vector<16xf32>, vector<16xf32>, vector<16xf32>, vector<16xf32>, vector<16xf32>, vector<16xf32>, f32, i32
      }
      %while3A_187 = arith.constant 1 : i32
      %while3A_188:10 = scf.for %while3A_230 = %while3A_184 to %while3A_180 step %while3A_187 iter_args(%while3A_231 = %while3A_186#0, %while3A_232 = %while3A_186#1, %while3A_233 = %while3A_186#2, %while3A_234 = %while3A_186#3, %while3A_235 = %while3A_186#4, %while3A_236 = %while3A_186#5, %while3A_237 = %while3A_186#6, %while3A_238 = %while3A_186#7, %while3A_239 = %while3A_186#8, %while3A_240 = %while3A_186#9) -> (vector<16xf32>, vector<16xf32>, vector<16xf32>, vector<16xf32>, vector<16xf32>, vector<16xf32>, vector<16xf32>, vector<16xf32>, f32, i32)  : i32 {
        %mul3A_241 = arith.constant 64 : i32
        %mul3A_242 = arith.muli %while3A_230, %mul3A_241 : i32
        %add3A_243 = arith.addi %scan3A_109, %mul3A_242 : i32
        %min3A_244 = arith.constant 16320 : i32
        %min3A_245 = arith.minsi %add3A_243, %min3A_244 : i32
        %add3A_246 = arith.constant 64 : i32
        %add3A_247 = arith.addi %add3A_243, %add3A_246 : i32
        %min3A_248 = arith.minsi %add3A_247, %scan3A_129#0 : i32
        %add3A_249 = arith.addi %scan3A_108, %while3A_230 : i32
        %rem3A_250 = arith.constant 2 : i32
        %rem3A_251 = arith.remsi %add3A_249, %rem3A_250 : i32
        %ge3A = arith.constant 1 : i32
        %ge3A_252 = arith.cmpi sge, %while3A_230, %ge3A : i32
        %convert_element_type3A_253 = arith.extui %ge3A_252 : i1 to i32
        %cond3A_254 = arith.constant 0 : i32
        %cond3A_255 = arith.cmpi ne, %convert_element_type3A_253, %cond3A_254 : i32
        scf.if %cond3A_255 {
          %mul3A_270 = arith.constant 128 : i32
          %mul3A_271 = arith.muli %min3A_245, %mul3A_270 : i32
          %mul3A_272 = arith.constant 64 : i32
          %mul3A_273 = arith.muli %rem3A_251, %mul3A_272 : i32
          %mul3A_274 = arith.constant 128 : i32
          %mul3A_275 = arith.muli %mul3A_273, %mul3A_274 : i32
          "tpu.region"() ({
            %run_scoped3A = tpu.sem_alloc : memref<!tpu.dma_semaphore, #tpu.memory_space<semaphore_mem>>
            %dma_start3A_276 = tpu.memref_slice %arg8[%mul3A_275] : memref<16384xf32, #tpu.memory_space<vmem>> -> memref<8192xf32, #tpu.memory_space<vmem>>
            %dma_start3A_277 = tpu.memref_slice %arg3[%mul3A_271] : memref<2097152xf32, #tpu.memory_space<hbm>> -> memref<8192xf32, #tpu.memory_space<hbm>>
            %dma_start3A_278 = tpu.memref_slice %arg8[%mul3A_275] : memref<16384xf32, #tpu.memory_space<vmem>> -> memref<8192xf32, #tpu.memory_space<vmem>>
            %dma_start3A_279 = tpu.memref_slice %arg3[%mul3A_271] : memref<2097152xf32, #tpu.memory_space<hbm>> -> memref<8192xf32, #tpu.memory_space<hbm>>
            tpu.enqueue_dma source(%dma_start3A_279 : memref<8192xf32, #tpu.memory_space<hbm>>) target(%dma_start3A_278 : memref<8192xf32, #tpu.memory_space<vmem>>) target_semaphore(%run_scoped3A : memref<!tpu.dma_semaphore, #tpu.memory_space<semaphore_mem>>)
            %dma_wait3A_280 = tpu.memref_slice %arg8[%mul3A_275] : memref<16384xf32, #tpu.memory_space<vmem>> -> memref<8192xf32, #tpu.memory_space<vmem>>
            %dma_wait3A_281 = tpu.memref_slice %arg3[%mul3A_271] : memref<2097152xf32, #tpu.memory_space<hbm>> -> memref<8192xf32, #tpu.memory_space<hbm>>
            %dma_wait3A_282 = tpu.memref_slice %arg8[%mul3A_275] : memref<16384xf32, #tpu.memory_space<vmem>> -> memref<8192xf32, #tpu.memory_space<vmem>>
            %dma_wait3A_283 = tpu.memref_slice %arg3[%mul3A_271] : memref<2097152xf32, #tpu.memory_space<hbm>> -> memref<8192xf32, #tpu.memory_space<hbm>>
            tpu.wait_dma2 semaphore(%run_scoped3A : memref<!tpu.dma_semaphore, #tpu.memory_space<semaphore_mem>>) src(%dma_wait3A_283 : memref<8192xf32, #tpu.memory_space<hbm>>) dst(%dma_wait3A_282 : memref<8192xf32, #tpu.memory_space<vmem>>)
            tpu.yield
          }) : () -> ()
        } else {
        }
        %mul3A_256 = arith.constant 64 : i32
        %mul3A_257 = arith.muli %rem3A_251, %mul3A_256 : i32
        %mul3A_258 = arith.constant 128 : i32
        %mul3A_259 = arith.muli %mul3A_257, %mul3A_258 : i32
        %while3A_260 = arith.subi %min3A_248, %add3A_243 : i32
        %while3A_261 = arith.addi %add3A_243, %while3A_260 : i32
        %while3A_262 = arith.constant 1 : i32
        %while3A_263 = arith.divsi %while3A_260, %while3A_262 : i32
        %while3A_264 = arith.muli %while3A_263, %while3A_262 : i32
        %while3A_265 = arith.addi %add3A_243, %while3A_264 : i32
        %while3A_266 = arith.constant 1 : i32
        %while3A_267:10 = scf.for %while3A_270 = %add3A_243 to %while3A_265 step %while3A_266 iter_args(%while3A_271 = %while3A_231, %while3A_272 = %while3A_232, %while3A_273 = %while3A_233, %while3A_274 = %while3A_234, %while3A_275 = %while3A_235, %while3A_276 = %while3A_236, %while3A_277 = %while3A_237, %while3A_278 = %while3A_238, %while3A_279 = %while3A_239, %while3A_280 = %while3A_240) -> (vector<16xf32>, vector<16xf32>, vector<16xf32>, vector<16xf32>, vector<16xf32>, vector<16xf32>, vector<16xf32>, vector<16xf32>, f32, i32)  : i32 {
          %get3A = arith.index_cast %while3A_270 : i32 to index
          %get3A_281 = tpu.vector_load %arg6[%get3A] {strides = array<i32>} : memref<16400xi32, #tpu.memory_space<vmem>>, vector<16xi32>,
          %slice3A = vector.extract_strided_slice %get3A_281 {offsets = [0], sizes = [1], strides = [1]} : vector<16xi32> to vector<1xi32>
          %squeeze3A = vector.extract %slice3A[0] : i32 from vector<1xi32>
          %sub3A_282 = arith.subi %while3A_270, %min3A_245 : i32
          %mul3A_283 = arith.constant 128 : i32
          %mul3A_284 = arith.muli %sub3A_282, %mul3A_283 : i32
          %add3A_285 = arith.addi %mul3A_259, %mul3A_284 : i32
          %add3A_286 = arith.constant 0 : i32
          %add3A_287 = arith.addi %add3A_285, %add3A_286 : i32
          %get3A_288 = arith.index_cast %add3A_287 : i32 to index
          %get3A_289 = tpu.vector_load %arg8[%get3A_288] {strides = array<i32>} : memref<16384xf32, #tpu.memory_space<vmem>>, vector<16xf32>,
          %mul3A_290 = arith.constant 128 : i32
          %mul3A_291 = arith.muli %sub3A_282, %mul3A_290 : i32
          %add3A_292 = arith.addi %mul3A_259, %mul3A_291 : i32
          %add3A_293 = arith.constant 16 : i32
          %add3A_294 = arith.addi %add3A_292, %add3A_293 : i32
          %get3A_295 = arith.index_cast %add3A_294 : i32 to index
          %get3A_296 = tpu.vector_load %arg8[%get3A_295] {strides = array<i32>} : memref<16384xf32, #tpu.memory_space<vmem>>, vector<16xf32>,
          %mul3A_297 = arith.constant 128 : i32
          %mul3A_298 = arith.muli %sub3A_282, %mul3A_297 : i32
          %add3A_299 = arith.addi %mul3A_259, %mul3A_298 : i32
          %add3A_300 = arith.constant 32 : i32
          %add3A_301 = arith.addi %add3A_299, %add3A_300 : i32
          %get3A_302 = arith.index_cast %add3A_301 : i32 to index
          %get3A_303 = tpu.vector_load %arg8[%get3A_302] {strides = array<i32>} : memref<16384xf32, #tpu.memory_space<vmem>>, vector<16xf32>,
          %mul3A_304 = arith.constant 128 : i32
          %mul3A_305 = arith.muli %sub3A_282, %mul3A_304 : i32
          %add3A_306 = arith.addi %mul3A_259, %mul3A_305 : i32
          %add3A_307 = arith.constant 48 : i32
          %add3A_308 = arith.addi %add3A_306, %add3A_307 : i32
          %get3A_309 = arith.index_cast %add3A_308 : i32 to index
          %get3A_310 = tpu.vector_load %arg8[%get3A_309] {strides = array<i32>} : memref<16384xf32, #tpu.memory_space<vmem>>, vector<16xf32>,
          %mul3A_311 = arith.constant 128 : i32
          %mul3A_312 = arith.muli %sub3A_282, %mul3A_311 : i32
          %add3A_313 = arith.addi %mul3A_259, %mul3A_312 : i32
          %add3A_314 = arith.constant 64 : i32
          %add3A_315 = arith.addi %add3A_313, %add3A_314 : i32
          %get3A_316 = arith.index_cast %add3A_315 : i32 to index
          %get3A_317 = tpu.vector_load %arg8[%get3A_316] {strides = array<i32>} : memref<16384xf32, #tpu.memory_space<vmem>>, vector<16xf32>,
          %mul3A_318 = arith.constant 128 : i32
          %mul3A_319 = arith.muli %sub3A_282, %mul3A_318 : i32
          %add3A_320 = arith.addi %mul3A_259, %mul3A_319 : i32
          %add3A_321 = arith.constant 80 : i32
          %add3A_322 = arith.addi %add3A_320, %add3A_321 : i32
          %get3A_323 = arith.index_cast %add3A_322 : i32 to index
          %get3A_324 = tpu.vector_load %arg8[%get3A_323] {strides = array<i32>} : memref<16384xf32, #tpu.memory_space<vmem>>, vector<16xf32>,
          %mul3A_325 = arith.constant 128 : i32
          %mul3A_326 = arith.muli %sub3A_282, %mul3A_325 : i32
          %add3A_327 = arith.addi %mul3A_259, %mul3A_326 : i32
          %add3A_328 = arith.constant 96 : i32
          %add3A_329 = arith.addi %add3A_327, %add3A_328 : i32
          %get3A_330 = arith.index_cast %add3A_329 : i32 to index
          %get3A_331 = tpu.vector_load %arg8[%get3A_330] {strides = array<i32>} : memref<16384xf32, #tpu.memory_space<vmem>>, vector<16xf32>,
          %mul3A_332 = arith.constant 128 : i32
          %mul3A_333 = arith.muli %sub3A_282, %mul3A_332 : i32
          %add3A_334 = arith.addi %mul3A_259, %mul3A_333 : i32
          %add3A_335 = arith.constant 112 : i32
          %add3A_336 = arith.addi %add3A_334, %add3A_335 : i32
          %get3A_337 = arith.index_cast %add3A_336 : i32 to index
          %get3A_338 = tpu.vector_load %arg8[%get3A_337] {strides = array<i32>} : memref<16384xf32, #tpu.memory_space<vmem>>, vector<16xf32>,
          %ne3A_339 = arith.cmpi ne, %squeeze3A, %while3A_280 : i32
          %gt3A_340 = arith.constant 0.000000e+00 : f32
          %gt3A_341 = arith.cmpf ogt, %while3A_279, %gt3A_340 : f32
          %and3A_342 = arith.andi %ne3A_339, %gt3A_341 : i1
          %convert_element_type3A_343 = arith.extui %and3A_342 : i1 to i32
          %cond3A_344 = arith.constant 0 : i32
          %cond3A_345 = arith.cmpi ne, %convert_element_type3A_343, %cond3A_344 : i32
          scf.if %cond3A_345 {
            %broadcast_in_dim3A_366 = arith.constant 1.000000e+00 : f32
            %broadcast_in_dim3A_367 = vector.broadcast %broadcast_in_dim3A_366 : f32 to vector<16xf32>
            %broadcast_in_dim3A_368 = vector.broadcast %while3A_279 : f32 to vector<16xf32>
            %div3A_369 = arith.divf %broadcast_in_dim3A_367, %broadcast_in_dim3A_368 : vector<16xf32>
            %sub3A_370 = arith.subi %while3A_280, %add3A_120 : i32
            %broadcast_in_dim3A_371 = vector.broadcast %sub3A_370 : i32 to vector<16xi32>
            %broadcast_in_dim3A_372 = vector.broadcast %rem3A_111 : i32 to vector<16xi32>
            %add3A_373 = arith.constant 0 : i32
            %add3A_374 = vector.broadcast %add3A_373 : i32 to vector<16xi32>
            %add3A_375 = arith.addi %add3A_374, %iota3A : vector<16xi32>
            %mul3A_376 = arith.mulf %while3A_271, %div3A_369 : vector<16xf32>
            tpu.vector_store_idx %arg7[%broadcast_in_dim3A_372, %broadcast_in_dim3A_371, %add3A_375], %mul3A_376 : memref<3x250x128xf32, #tpu.memory_space<vmem>>[vector<16xi32>, vector<16xi32>, vector<16xi32>], vector<16xf32>,
            %broadcast_in_dim3A_377 = vector.broadcast %rem3A_111 : i32 to vector<16xi32>
            %add3A_378 = arith.constant 16 : i32
            %add3A_379 = vector.broadcast %add3A_378 : i32 to vector<16xi32>
            %add3A_380 = arith.addi %add3A_379, %iota3A : vector<16xi32>
            %mul3A_381 = arith.mulf %while3A_272, %div3A_369 : vector<16xf32>
            tpu.vector_store_idx %arg7[%broadcast_in_dim3A_377, %broadcast_in_dim3A_371, %add3A_380], %mul3A_381 : memref<3x250x128xf32, #tpu.memory_space<vmem>>[vector<16xi32>, vector<16xi32>, vector<16xi32>], vector<16xf32>,
            %broadcast_in_dim3A_382 = vector.broadcast %rem3A_111 : i32 to vector<16xi32>
            %add3A_383 = arith.constant 32 : i32
            %add3A_384 = vector.broadcast %add3A_383 : i32 to vector<16xi32>
            %add3A_385 = arith.addi %add3A_384, %iota3A : vector<16xi32>
            %mul3A_386 = arith.mulf %while3A_273, %div3A_369 : vector<16xf32>
            tpu.vector_store_idx %arg7[%broadcast_in_dim3A_382, %broadcast_in_dim3A_371, %add3A_385], %mul3A_386 : memref<3x250x128xf32, #tpu.memory_space<vmem>>[vector<16xi32>, vector<16xi32>, vector<16xi32>], vector<16xf32>,
            %broadcast_in_dim3A_387 = vector.broadcast %rem3A_111 : i32 to vector<16xi32>
            %add3A_388 = arith.constant 48 : i32
            %add3A_389 = vector.broadcast %add3A_388 : i32 to vector<16xi32>
            %add3A_390 = arith.addi %add3A_389, %iota3A : vector<16xi32>
            %mul3A_391 = arith.mulf %while3A_274, %div3A_369 : vector<16xf32>
            tpu.vector_store_idx %arg7[%broadcast_in_dim3A_387, %broadcast_in_dim3A_371, %add3A_390], %mul3A_391 : memref<3x250x128xf32, #tpu.memory_space<vmem>>[vector<16xi32>, vector<16xi32>, vector<16xi32>], vector<16xf32>,
            %broadcast_in_dim3A_392 = vector.broadcast %rem3A_111 : i32 to vector<16xi32>
            %add3A_393 = arith.constant 64 : i32
            %add3A_394 = vector.broadcast %add3A_393 : i32 to vector<16xi32>
            %add3A_395 = arith.addi %add3A_394, %iota3A : vector<16xi32>
            %mul3A_396 = arith.mulf %while3A_275, %div3A_369 : vector<16xf32>
            tpu.vector_store_idx %arg7[%broadcast_in_dim3A_392, %broadcast_in_dim3A_371, %add3A_395], %mul3A_396 : memref<3x250x128xf32, #tpu.memory_space<vmem>>[vector<16xi32>, vector<16xi32>, vector<16xi32>], vector<16xf32>,
            %broadcast_in_dim3A_397 = vector.broadcast %rem3A_111 : i32 to vector<16xi32>
            %add3A_398 = arith.constant 80 : i32
            %add3A_399 = vector.broadcast %add3A_398 : i32 to vector<16xi32>
            %add3A_400 = arith.addi %add3A_399, %iota3A : vector<16xi32>
            %mul3A_401 = arith.mulf %while3A_276, %div3A_369 : vector<16xf32>
            tpu.vector_store_idx %arg7[%broadcast_in_dim3A_397, %broadcast_in_dim3A_371, %add3A_400], %mul3A_401 : memref<3x250x128xf32, #tpu.memory_space<vmem>>[vector<16xi32>, vector<16xi32>, vector<16xi32>], vector<16xf32>,
            %broadcast_in_dim3A_402 = vector.broadcast %rem3A_111 : i32 to vector<16xi32>
            %add3A_403 = arith.constant 96 : i32
            %add3A_404 = vector.broadcast %add3A_403 : i32 to vector<16xi32>
            %add3A_405 = arith.addi %add3A_404, %iota3A : vector<16xi32>
            %mul3A_406 = arith.mulf %while3A_277, %div3A_369 : vector<16xf32>
            tpu.vector_store_idx %arg7[%broadcast_in_dim3A_402, %broadcast_in_dim3A_371, %add3A_405], %mul3A_406 : memref<3x250x128xf32, #tpu.memory_space<vmem>>[vector<16xi32>, vector<16xi32>, vector<16xi32>], vector<16xf32>,
            %broadcast_in_dim3A_407 = vector.broadcast %rem3A_111 : i32 to vector<16xi32>
            %add3A_408 = arith.constant 112 : i32
            %add3A_409 = vector.broadcast %add3A_408 : i32 to vector<16xi32>
            %add3A_410 = arith.addi %add3A_409, %iota3A : vector<16xi32>
            %mul3A_411 = arith.mulf %while3A_278, %div3A_369 : vector<16xf32>
            tpu.vector_store_idx %arg7[%broadcast_in_dim3A_407, %broadcast_in_dim3A_371, %add3A_410], %mul3A_411 : memref<3x250x128xf32, #tpu.memory_space<vmem>>[vector<16xi32>, vector<16xi32>, vector<16xi32>], vector<16xf32>,
          } else {
          }
          %add3A_346 = arith.addf %while3A_271, %get3A_289 : vector<16xf32>
          %select_n3A_347 = arith.select %ne3A_339, %get3A_289, %add3A_346 : vector<16xf32>
          %add3A_348 = arith.addf %while3A_272, %get3A_296 : vector<16xf32>
          %select_n3A_349 = arith.select %ne3A_339, %get3A_296, %add3A_348 : vector<16xf32>
          %add3A_350 = arith.addf %while3A_273, %get3A_303 : vector<16xf32>
          %select_n3A_351 = arith.select %ne3A_339, %get3A_303, %add3A_350 : vector<16xf32>
          %add3A_352 = arith.addf %while3A_274, %get3A_310 : vector<16xf32>
          %select_n3A_353 = arith.select %ne3A_339, %get3A_310, %add3A_352 : vector<16xf32>
          %add3A_354 = arith.addf %while3A_275, %get3A_317 : vector<16xf32>
          %select_n3A_355 = arith.select %ne3A_339, %get3A_317, %add3A_354 : vector<16xf32>
          %add3A_356 = arith.addf %while3A_276, %get3A_324 : vector<16xf32>
          %select_n3A_357 = arith.select %ne3A_339, %get3A_324, %add3A_356 : vector<16xf32>
          %add3A_358 = arith.addf %while3A_277, %get3A_331 : vector<16xf32>
          %select_n3A_359 = arith.select %ne3A_339, %get3A_331, %add3A_358 : vector<16xf32>
          %add3A_360 = arith.addf %while3A_278, %get3A_338 : vector<16xf32>
          %select_n3A_361 = arith.select %ne3A_339, %get3A_338, %add3A_360 : vector<16xf32>
          %add3A_362 = arith.constant 1.000000e+00 : f32
          %add3A_363 = arith.addf %while3A_279, %add3A_362 : f32
          %jit3A_364 = arith.constant 1.000000e+00 : f32
          %select_n3A_365 = arith.select %ne3A_339, %jit3A_364, %add3A_363 : f32
          scf.yield %select_n3A_347, %select_n3A_349, %select_n3A_351, %select_n3A_353, %select_n3A_355, %select_n3A_357, %select_n3A_359, %select_n3A_361, %select_n3A_365, %squeeze3A : vector<16xf32>, vector<16xf32>, vector<16xf32>, vector<16xf32>, vector<16xf32>, vector<16xf32>, vector<16xf32>, vector<16xf32>, f32, i32
        }
        %while3A_268 = arith.constant 1 : i32
        %while3A_269:10 = scf.for %while3A_270 = %while3A_265 to %while3A_261 step %while3A_268 iter_args(%while3A_271 = %while3A_267#0, %while3A_272 = %while3A_267#1, %while3A_273 = %while3A_267#2, %while3A_274 = %while3A_267#3, %while3A_275 = %while3A_267#4, %while3A_276 = %while3A_267#5, %while3A_277 = %while3A_267#6, %while3A_278 = %while3A_267#7, %while3A_279 = %while3A_267#8, %while3A_280 = %while3A_267#9) -> (vector<16xf32>, vector<16xf32>, vector<16xf32>, vector<16xf32>, vector<16xf32>, vector<16xf32>, vector<16xf32>, vector<16xf32>, f32, i32)  : i32 {
          %get3A = arith.index_cast %while3A_270 : i32 to index
          %get3A_281 = tpu.vector_load %arg6[%get3A] {strides = array<i32>} : memref<16400xi32, #tpu.memory_space<vmem>>, vector<16xi32>,
          %slice3A = vector.extract_strided_slice %get3A_281 {offsets = [0], sizes = [1], strides = [1]} : vector<16xi32> to vector<1xi32>
          %squeeze3A = vector.extract %slice3A[0] : i32 from vector<1xi32>
          %sub3A_282 = arith.subi %while3A_270, %min3A_245 : i32
          %mul3A_283 = arith.constant 128 : i32
          %mul3A_284 = arith.muli %sub3A_282, %mul3A_283 : i32
          %add3A_285 = arith.addi %mul3A_259, %mul3A_284 : i32
          %add3A_286 = arith.constant 0 : i32
          %add3A_287 = arith.addi %add3A_285, %add3A_286 : i32
          %get3A_288 = arith.index_cast %add3A_287 : i32 to index
          %get3A_289 = tpu.vector_load %arg8[%get3A_288] {strides = array<i32>} : memref<16384xf32, #tpu.memory_space<vmem>>, vector<16xf32>,
          %mul3A_290 = arith.constant 128 : i32
          %mul3A_291 = arith.muli %sub3A_282, %mul3A_290 : i32
          %add3A_292 = arith.addi %mul3A_259, %mul3A_291 : i32
          %add3A_293 = arith.constant 16 : i32
          %add3A_294 = arith.addi %add3A_292, %add3A_293 : i32
          %get3A_295 = arith.index_cast %add3A_294 : i32 to index
          %get3A_296 = tpu.vector_load %arg8[%get3A_295] {strides = array<i32>} : memref<16384xf32, #tpu.memory_space<vmem>>, vector<16xf32>,
          %mul3A_297 = arith.constant 128 : i32
          %mul3A_298 = arith.muli %sub3A_282, %mul3A_297 : i32
          %add3A_299 = arith.addi %mul3A_259, %mul3A_298 : i32
          %add3A_300 = arith.constant 32 : i32
          %add3A_301 = arith.addi %add3A_299, %add3A_300 : i32
          %get3A_302 = arith.index_cast %add3A_301 : i32 to index
          %get3A_303 = tpu.vector_load %arg8[%get3A_302] {strides = array<i32>} : memref<16384xf32, #tpu.memory_space<vmem>>, vector<16xf32>,
          %mul3A_304 = arith.constant 128 : i32
          %mul3A_305 = arith.muli %sub3A_282, %mul3A_304 : i32
          %add3A_306 = arith.addi %mul3A_259, %mul3A_305 : i32
          %add3A_307 = arith.constant 48 : i32
          %add3A_308 = arith.addi %add3A_306, %add3A_307 : i32
          %get3A_309 = arith.index_cast %add3A_308 : i32 to index
          %get3A_310 = tpu.vector_load %arg8[%get3A_309] {strides = array<i32>} : memref<16384xf32, #tpu.memory_space<vmem>>, vector<16xf32>,
          %mul3A_311 = arith.constant 128 : i32
          %mul3A_312 = arith.muli %sub3A_282, %mul3A_311 : i32
          %add3A_313 = arith.addi %mul3A_259, %mul3A_312 : i32
          %add3A_314 = arith.constant 64 : i32
          %add3A_315 = arith.addi %add3A_313, %add3A_314 : i32
          %get3A_316 = arith.index_cast %add3A_315 : i32 to index
          %get3A_317 = tpu.vector_load %arg8[%get3A_316] {strides = array<i32>} : memref<16384xf32, #tpu.memory_space<vmem>>, vector<16xf32>,
          %mul3A_318 = arith.constant 128 : i32
          %mul3A_319 = arith.muli %sub3A_282, %mul3A_318 : i32
          %add3A_320 = arith.addi %mul3A_259, %mul3A_319 : i32
          %add3A_321 = arith.constant 80 : i32
          %add3A_322 = arith.addi %add3A_320, %add3A_321 : i32
          %get3A_323 = arith.index_cast %add3A_322 : i32 to index
          %get3A_324 = tpu.vector_load %arg8[%get3A_323] {strides = array<i32>} : memref<16384xf32, #tpu.memory_space<vmem>>, vector<16xf32>,
          %mul3A_325 = arith.constant 128 : i32
          %mul3A_326 = arith.muli %sub3A_282, %mul3A_325 : i32
          %add3A_327 = arith.addi %mul3A_259, %mul3A_326 : i32
          %add3A_328 = arith.constant 96 : i32
          %add3A_329 = arith.addi %add3A_327, %add3A_328 : i32
          %get3A_330 = arith.index_cast %add3A_329 : i32 to index
          %get3A_331 = tpu.vector_load %arg8[%get3A_330] {strides = array<i32>} : memref<16384xf32, #tpu.memory_space<vmem>>, vector<16xf32>,
          %mul3A_332 = arith.constant 128 : i32
          %mul3A_333 = arith.muli %sub3A_282, %mul3A_332 : i32
          %add3A_334 = arith.addi %mul3A_259, %mul3A_333 : i32
          %add3A_335 = arith.constant 112 : i32
          %add3A_336 = arith.addi %add3A_334, %add3A_335 : i32
          %get3A_337 = arith.index_cast %add3A_336 : i32 to index
          %get3A_338 = tpu.vector_load %arg8[%get3A_337] {strides = array<i32>} : memref<16384xf32, #tpu.memory_space<vmem>>, vector<16xf32>,
          %ne3A_339 = arith.cmpi ne, %squeeze3A, %while3A_280 : i32
          %gt3A_340 = arith.constant 0.000000e+00 : f32
          %gt3A_341 = arith.cmpf ogt, %while3A_279, %gt3A_340 : f32
          %and3A_342 = arith.andi %ne3A_339, %gt3A_341 : i1
          %convert_element_type3A_343 = arith.extui %and3A_342 : i1 to i32
          %cond3A_344 = arith.constant 0 : i32
          %cond3A_345 = arith.cmpi ne, %convert_element_type3A_343, %cond3A_344 : i32
          scf.if %cond3A_345 {
            %broadcast_in_dim3A_366 = arith.constant 1.000000e+00 : f32
            %broadcast_in_dim3A_367 = vector.broadcast %broadcast_in_dim3A_366 : f32 to vector<16xf32>
            %broadcast_in_dim3A_368 = vector.broadcast %while3A_279 : f32 to vector<16xf32>
            %div3A_369 = arith.divf %broadcast_in_dim3A_367, %broadcast_in_dim3A_368 : vector<16xf32>
            %sub3A_370 = arith.subi %while3A_280, %add3A_120 : i32
            %broadcast_in_dim3A_371 = vector.broadcast %sub3A_370 : i32 to vector<16xi32>
            %broadcast_in_dim3A_372 = vector.broadcast %rem3A_111 : i32 to vector<16xi32>
            %add3A_373 = arith.constant 0 : i32
            %add3A_374 = vector.broadcast %add3A_373 : i32 to vector<16xi32>
            %add3A_375 = arith.addi %add3A_374, %iota3A : vector<16xi32>
            %mul3A_376 = arith.mulf %while3A_271, %div3A_369 : vector<16xf32>
            tpu.vector_store_idx %arg7[%broadcast_in_dim3A_372, %broadcast_in_dim3A_371, %add3A_375], %mul3A_376 : memref<3x250x128xf32, #tpu.memory_space<vmem>>[vector<16xi32>, vector<16xi32>, vector<16xi32>], vector<16xf32>,
            %broadcast_in_dim3A_377 = vector.broadcast %rem3A_111 : i32 to vector<16xi32>
            %add3A_378 = arith.constant 16 : i32
            %add3A_379 = vector.broadcast %add3A_378 : i32 to vector<16xi32>
            %add3A_380 = arith.addi %add3A_379, %iota3A : vector<16xi32>
            %mul3A_381 = arith.mulf %while3A_272, %div3A_369 : vector<16xf32>
            tpu.vector_store_idx %arg7[%broadcast_in_dim3A_377, %broadcast_in_dim3A_371, %add3A_380], %mul3A_381 : memref<3x250x128xf32, #tpu.memory_space<vmem>>[vector<16xi32>, vector<16xi32>, vector<16xi32>], vector<16xf32>,
            %broadcast_in_dim3A_382 = vector.broadcast %rem3A_111 : i32 to vector<16xi32>
            %add3A_383 = arith.constant 32 : i32
            %add3A_384 = vector.broadcast %add3A_383 : i32 to vector<16xi32>
            %add3A_385 = arith.addi %add3A_384, %iota3A : vector<16xi32>
            %mul3A_386 = arith.mulf %while3A_273, %div3A_369 : vector<16xf32>
            tpu.vector_store_idx %arg7[%broadcast_in_dim3A_382, %broadcast_in_dim3A_371, %add3A_385], %mul3A_386 : memref<3x250x128xf32, #tpu.memory_space<vmem>>[vector<16xi32>, vector<16xi32>, vector<16xi32>], vector<16xf32>,
            %broadcast_in_dim3A_387 = vector.broadcast %rem3A_111 : i32 to vector<16xi32>
            %add3A_388 = arith.constant 48 : i32
            %add3A_389 = vector.broadcast %add3A_388 : i32 to vector<16xi32>
            %add3A_390 = arith.addi %add3A_389, %iota3A : vector<16xi32>
            %mul3A_391 = arith.mulf %while3A_274, %div3A_369 : vector<16xf32>
            tpu.vector_store_idx %arg7[%broadcast_in_dim3A_387, %broadcast_in_dim3A_371, %add3A_390], %mul3A_391 : memref<3x250x128xf32, #tpu.memory_space<vmem>>[vector<16xi32>, vector<16xi32>, vector<16xi32>], vector<16xf32>,
            %broadcast_in_dim3A_392 = vector.broadcast %rem3A_111 : i32 to vector<16xi32>
            %add3A_393 = arith.constant 64 : i32
            %add3A_394 = vector.broadcast %add3A_393 : i32 to vector<16xi32>
            %add3A_395 = arith.addi %add3A_394, %iota3A : vector<16xi32>
            %mul3A_396 = arith.mulf %while3A_275, %div3A_369 : vector<16xf32>
            tpu.vector_store_idx %arg7[%broadcast_in_dim3A_392, %broadcast_in_dim3A_371, %add3A_395], %mul3A_396 : memref<3x250x128xf32, #tpu.memory_space<vmem>>[vector<16xi32>, vector<16xi32>, vector<16xi32>], vector<16xf32>,
            %broadcast_in_dim3A_397 = vector.broadcast %rem3A_111 : i32 to vector<16xi32>
            %add3A_398 = arith.constant 80 : i32
            %add3A_399 = vector.broadcast %add3A_398 : i32 to vector<16xi32>
            %add3A_400 = arith.addi %add3A_399, %iota3A : vector<16xi32>
            %mul3A_401 = arith.mulf %while3A_276, %div3A_369 : vector<16xf32>
            tpu.vector_store_idx %arg7[%broadcast_in_dim3A_397, %broadcast_in_dim3A_371, %add3A_400], %mul3A_401 : memref<3x250x128xf32, #tpu.memory_space<vmem>>[vector<16xi32>, vector<16xi32>, vector<16xi32>], vector<16xf32>,
            %broadcast_in_dim3A_402 = vector.broadcast %rem3A_111 : i32 to vector<16xi32>
            %add3A_403 = arith.constant 96 : i32
            %add3A_404 = vector.broadcast %add3A_403 : i32 to vector<16xi32>
            %add3A_405 = arith.addi %add3A_404, %iota3A : vector<16xi32>
            %mul3A_406 = arith.mulf %while3A_277, %div3A_369 : vector<16xf32>
            tpu.vector_store_idx %arg7[%broadcast_in_dim3A_402, %broadcast_in_dim3A_371, %add3A_405], %mul3A_406 : memref<3x250x128xf32, #tpu.memory_space<vmem>>[vector<16xi32>, vector<16xi32>, vector<16xi32>], vector<16xf32>,
            %broadcast_in_dim3A_407 = vector.broadcast %rem3A_111 : i32 to vector<16xi32>
            %add3A_408 = arith.constant 112 : i32
            %add3A_409 = vector.broadcast %add3A_408 : i32 to vector<16xi32>
            %add3A_410 = arith.addi %add3A_409, %iota3A : vector<16xi32>
            %mul3A_411 = arith.mulf %while3A_278, %div3A_369 : vector<16xf32>
            tpu.vector_store_idx %arg7[%broadcast_in_dim3A_407, %broadcast_in_dim3A_371, %add3A_410], %mul3A_411 : memref<3x250x128xf32, #tpu.memory_space<vmem>>[vector<16xi32>, vector<16xi32>, vector<16xi32>], vector<16xf32>,
          } else {
          }
          %add3A_346 = arith.addf %while3A_271, %get3A_289 : vector<16xf32>
          %select_n3A_347 = arith.select %ne3A_339, %get3A_289, %add3A_346 : vector<16xf32>
          %add3A_348 = arith.addf %while3A_272, %get3A_296 : vector<16xf32>
          %select_n3A_349 = arith.select %ne3A_339, %get3A_296, %add3A_348 : vector<16xf32>
          %add3A_350 = arith.addf %while3A_273, %get3A_303 : vector<16xf32>
          %select_n3A_351 = arith.select %ne3A_339, %get3A_303, %add3A_350 : vector<16xf32>
          %add3A_352 = arith.addf %while3A_274, %get3A_310 : vector<16xf32>
          %select_n3A_353 = arith.select %ne3A_339, %get3A_310, %add3A_352 : vector<16xf32>
          %add3A_354 = arith.addf %while3A_275, %get3A_317 : vector<16xf32>
          %select_n3A_355 = arith.select %ne3A_339, %get3A_317, %add3A_354 : vector<16xf32>
          %add3A_356 = arith.addf %while3A_276, %get3A_324 : vector<16xf32>
          %select_n3A_357 = arith.select %ne3A_339, %get3A_324, %add3A_356 : vector<16xf32>
          %add3A_358 = arith.addf %while3A_277, %get3A_331 : vector<16xf32>
          %select_n3A_359 = arith.select %ne3A_339, %get3A_331, %add3A_358 : vector<16xf32>
          %add3A_360 = arith.addf %while3A_278, %get3A_338 : vector<16xf32>
          %select_n3A_361 = arith.select %ne3A_339, %get3A_338, %add3A_360 : vector<16xf32>
          %add3A_362 = arith.constant 1.000000e+00 : f32
          %add3A_363 = arith.addf %while3A_279, %add3A_362 : f32
          %jit3A_364 = arith.constant 1.000000e+00 : f32
          %select_n3A_365 = arith.select %ne3A_339, %jit3A_364, %add3A_363 : f32
          scf.yield %select_n3A_347, %select_n3A_349, %select_n3A_351, %select_n3A_353, %select_n3A_355, %select_n3A_357, %select_n3A_359, %select_n3A_361, %select_n3A_365, %squeeze3A : vector<16xf32>, vector<16xf32>, vector<16xf32>, vector<16xf32>, vector<16xf32>, vector<16xf32>, vector<16xf32>, vector<16xf32>, f32, i32
        }
        scf.yield %while3A_269#0, %while3A_269#1, %while3A_269#2, %while3A_269#3, %while3A_269#4, %while3A_269#5, %while3A_269#6, %while3A_269#7, %while3A_269#8, %while3A_269#9 : vector<16xf32>, vector<16xf32>, vector<16xf32>, vector<16xf32>, vector<16xf32>, vector<16xf32>, vector<16xf32>, vector<16xf32>, f32, i32
      }
      %gt3A = arith.constant 0 : i32
      %gt3A_189 = arith.cmpi sgt, %sub3A, %gt3A : i32
      %gt3A_190 = arith.constant 0.000000e+00 : f32
      %gt3A_191 = arith.cmpf ogt, %while3A_188#8, %gt3A_190 : f32
      %and3A_192 = arith.andi %gt3A_189, %gt3A_191 : i1
      %convert_element_type3A_193 = arith.extui %and3A_192 : i1 to i32
      %cond3A_194 = arith.constant 0 : i32
      %cond3A_195 = arith.cmpi ne, %convert_element_type3A_193, %cond3A_194 : i32
      scf.if %cond3A_195 {
        %broadcast_in_dim3A_230 = arith.constant 1.000000e+00 : f32
        %broadcast_in_dim3A_231 = vector.broadcast %broadcast_in_dim3A_230 : f32 to vector<16xf32>
        %broadcast_in_dim3A_232 = vector.broadcast %while3A_188#8 : f32 to vector<16xf32>
        %div3A_233 = arith.divf %broadcast_in_dim3A_231, %broadcast_in_dim3A_232 : vector<16xf32>
        %sub3A_234 = arith.subi %while3A_188#9, %add3A_120 : i32
        %broadcast_in_dim3A_235 = vector.broadcast %sub3A_234 : i32 to vector<16xi32>
        %broadcast_in_dim3A_236 = vector.broadcast %rem3A_111 : i32 to vector<16xi32>
        %add3A_237 = arith.constant 0 : i32
        %add3A_238 = vector.broadcast %add3A_237 : i32 to vector<16xi32>
        %add3A_239 = arith.addi %add3A_238, %iota3A : vector<16xi32>
        %mul3A_240 = arith.mulf %while3A_188#0, %div3A_233 : vector<16xf32>
        tpu.vector_store_idx %arg7[%broadcast_in_dim3A_236, %broadcast_in_dim3A_235, %add3A_239], %mul3A_240 : memref<3x250x128xf32, #tpu.memory_space<vmem>>[vector<16xi32>, vector<16xi32>, vector<16xi32>], vector<16xf32>,
        %broadcast_in_dim3A_241 = vector.broadcast %rem3A_111 : i32 to vector<16xi32>
        %add3A_242 = arith.constant 16 : i32
        %add3A_243 = vector.broadcast %add3A_242 : i32 to vector<16xi32>
        %add3A_244 = arith.addi %add3A_243, %iota3A : vector<16xi32>
        %mul3A_245 = arith.mulf %while3A_188#1, %div3A_233 : vector<16xf32>
        tpu.vector_store_idx %arg7[%broadcast_in_dim3A_241, %broadcast_in_dim3A_235, %add3A_244], %mul3A_245 : memref<3x250x128xf32, #tpu.memory_space<vmem>>[vector<16xi32>, vector<16xi32>, vector<16xi32>], vector<16xf32>,
        %broadcast_in_dim3A_246 = vector.broadcast %rem3A_111 : i32 to vector<16xi32>
        %add3A_247 = arith.constant 32 : i32
        %add3A_248 = vector.broadcast %add3A_247 : i32 to vector<16xi32>
        %add3A_249 = arith.addi %add3A_248, %iota3A : vector<16xi32>
        %mul3A_250 = arith.mulf %while3A_188#2, %div3A_233 : vector<16xf32>
        tpu.vector_store_idx %arg7[%broadcast_in_dim3A_246, %broadcast_in_dim3A_235, %add3A_249], %mul3A_250 : memref<3x250x128xf32, #tpu.memory_space<vmem>>[vector<16xi32>, vector<16xi32>, vector<16xi32>], vector<16xf32>,
        %broadcast_in_dim3A_251 = vector.broadcast %rem3A_111 : i32 to vector<16xi32>
        %add3A_252 = arith.constant 48 : i32
        %add3A_253 = vector.broadcast %add3A_252 : i32 to vector<16xi32>
        %add3A_254 = arith.addi %add3A_253, %iota3A : vector<16xi32>
        %mul3A_255 = arith.mulf %while3A_188#3, %div3A_233 : vector<16xf32>
        tpu.vector_store_idx %arg7[%broadcast_in_dim3A_251, %broadcast_in_dim3A_235, %add3A_254], %mul3A_255 : memref<3x250x128xf32, #tpu.memory_space<vmem>>[vector<16xi32>, vector<16xi32>, vector<16xi32>], vector<16xf32>,
        %broadcast_in_dim3A_256 = vector.broadcast %rem3A_111 : i32 to vector<16xi32>
        %add3A_257 = arith.constant 64 : i32
        %add3A_258 = vector.broadcast %add3A_257 : i32 to vector<16xi32>
        %add3A_259 = arith.addi %add3A_258, %iota3A : vector<16xi32>
        %mul3A_260 = arith.mulf %while3A_188#4, %div3A_233 : vector<16xf32>
        tpu.vector_store_idx %arg7[%broadcast_in_dim3A_256, %broadcast_in_dim3A_235, %add3A_259], %mul3A_260 : memref<3x250x128xf32, #tpu.memory_space<vmem>>[vector<16xi32>, vector<16xi32>, vector<16xi32>], vector<16xf32>,
        %broadcast_in_dim3A_261 = vector.broadcast %rem3A_111 : i32 to vector<16xi32>
        %add3A_262 = arith.constant 80 : i32
        %add3A_263 = vector.broadcast %add3A_262 : i32 to vector<16xi32>
        %add3A_264 = arith.addi %add3A_263, %iota3A : vector<16xi32>
        %mul3A_265 = arith.mulf %while3A_188#5, %div3A_233 : vector<16xf32>
        tpu.vector_store_idx %arg7[%broadcast_in_dim3A_261, %broadcast_in_dim3A_235, %add3A_264], %mul3A_265 : memref<3x250x128xf32, #tpu.memory_space<vmem>>[vector<16xi32>, vector<16xi32>, vector<16xi32>], vector<16xf32>,
        %broadcast_in_dim3A_266 = vector.broadcast %rem3A_111 : i32 to vector<16xi32>
        %add3A_267 = arith.constant 96 : i32
        %add3A_268 = vector.broadcast %add3A_267 : i32 to vector<16xi32>
        %add3A_269 = arith.addi %add3A_268, %iota3A : vector<16xi32>
        %mul3A_270 = arith.mulf %while3A_188#6, %div3A_233 : vector<16xf32>
        tpu.vector_store_idx %arg7[%broadcast_in_dim3A_266, %broadcast_in_dim3A_235, %add3A_269], %mul3A_270 : memref<3x250x128xf32, #tpu.memory_space<vmem>>[vector<16xi32>, vector<16xi32>, vector<16xi32>], vector<16xf32>,
        %broadcast_in_dim3A_271 = vector.broadcast %rem3A_111 : i32 to vector<16xi32>
        %add3A_272 = arith.constant 112 : i32
        %add3A_273 = vector.broadcast %add3A_272 : i32 to vector<16xi32>
        %add3A_274 = arith.addi %add3A_273, %iota3A : vector<16xi32>
        %mul3A_275 = arith.mulf %while3A_188#7, %div3A_233 : vector<16xf32>
        tpu.vector_store_idx %arg7[%broadcast_in_dim3A_271, %broadcast_in_dim3A_235, %add3A_274], %mul3A_275 : memref<3x250x128xf32, #tpu.memory_space<vmem>>[vector<16xi32>, vector<16xi32>, vector<16xi32>], vector<16xf32>,
      } else {
      }
      %add3A_196 = arith.constant 1 : i32
      %add3A_197 = arith.addi %scan3A_108, %add3A_196 : i32
      %mul3A_198 = arith.constant 250 : i32
      %mul3A_199 = arith.muli %add3A_197, %mul3A_198 : i32
      %min3A_200 = arith.constant 2875 : i32
      %min3A_201 = arith.minsi %mul3A_199, %min3A_200 : i32
      %add3A_202 = arith.addi %mul3A_2, %min3A_201 : i32
      %scan3A_203 = arith.constant 0 : i32
      %scan3A_204 = arith.constant 16384 : i32
      %scan3A_205 = arith.constant 0 : i32
      %scan3A_206 = arith.constant 14 : i32
      %scan3A_207 = arith.addi %scan3A_205, %scan3A_206 : i32
      %scan3A_208 = arith.constant 1 : i32
      %scan3A_209:2 = scf.for %scan3A_230 = %scan3A_205 to %scan3A_207 step %scan3A_208 iter_args(%scan3A_231 = %scan3A_203, %scan3A_232 = %scan3A_204) -> (i32, i32)  : i32 {
        %add3A_233 = arith.addi %scan3A_231, %scan3A_232 : i32
        %jit3A_234 = arith.constant 2 : i32
        %div3A_235 = arith.divsi %add3A_233, %jit3A_234 : i32
        %sign3A_236 = arith.constant 0 : i32
        %sign3A_237 = arith.cmpi sgt, %add3A_233, %sign3A_236 : i32
        %sign3A_238 = arith.extui %sign3A_237 : i1 to i32
        %sign3A_239 = arith.constant 0 : i32
        %sign3A_240 = arith.cmpi slt, %add3A_233, %sign3A_239 : i32
        %sign3A_241 = arith.extui %sign3A_240 : i1 to i32
        %sign3A_242 = arith.subi %sign3A_238, %sign3A_241 : i32
        %sign3A_243 = arith.constant 0 : i32
        %sign3A_244 = arith.cmpi sgt, %jit3A_234, %sign3A_243 : i32
        %sign3A_245 = arith.extui %sign3A_244 : i1 to i32
        %sign3A_246 = arith.constant 0 : i32
        %sign3A_247 = arith.cmpi slt, %jit3A_234, %sign3A_246 : i32
        %sign3A_248 = arith.extui %sign3A_247 : i1 to i32
        %sign3A_249 = arith.subi %sign3A_245, %sign3A_248 : i32
        %ne3A_250 = arith.cmpi ne, %sign3A_242, %sign3A_249 : i32
        %rem3A_251 = arith.remsi %add3A_233, %jit3A_234 : i32
        %ne3A_252 = arith.constant 0 : i32
        %ne3A_253 = arith.cmpi ne, %rem3A_251, %ne3A_252 : i32
        %and3A_254 = arith.andi %ne3A_250, %ne3A_253 : i1
        %sub3A_255 = arith.constant 1 : i32
        %sub3A_256 = arith.subi %div3A_235, %sub3A_255 : i32
        %select_n3A_257 = arith.select %and3A_254, %sub3A_256, %div3A_235 : i32
        %get3A = arith.index_cast %select_n3A_257 : i32 to index
        %get3A_258 = tpu.vector_load %arg6[%get3A] {strides = array<i32>} : memref<16400xi32, #tpu.memory_space<vmem>>, vector<16xi32>,
        %slice3A = vector.extract_strided_slice %get3A_258 {offsets = [0], sizes = [1], strides = [1]} : vector<16xi32> to vector<1xi32>
        %squeeze3A = vector.extract %slice3A[0] : i32 from vector<1xi32>
        %lt3A_259 = arith.cmpi slt, %squeeze3A, %add3A_202 : i32
        %add3A_260 = arith.constant 1 : i32
        %add3A_261 = arith.addi %select_n3A_257, %add3A_260 : i32
        %select_n3A_262 = arith.select %lt3A_259, %add3A_261, %scan3A_231 : i32
        %select_n3A_263 = arith.select %lt3A_259, %scan3A_232, %select_n3A_257 : i32
        scf.yield %select_n3A_262, %select_n3A_263 : i32, i32
      }
      %scan3A_210 = arith.constant 14 : i32
      %dma_start3A_211 = arith.constant 0 : i32
      %dma_start3A_212 = arith.constant 0 : i32
      %dma_start3A_213 = tpu.memref_slice %arg7[%rem3A_111, %dma_start3A_211, %dma_start3A_212] : memref<3x250x128xf32, #tpu.memory_space<vmem>> -> memref<1x250x128xf32, #tpu.memory_space<vmem>>
      %dma_start3A_214 = tpu.memref_squeeze %dma_start3A_213 : memref<1x250x128xf32, #tpu.memory_space<vmem>> -> memref<250x128xf32, #tpu.memory_space<vmem>>
      %dma_start3A_215 = arith.constant 0 : i32
      %dma_start3A_216 = tpu.memref_slice %arg5[%add3A_120, %dma_start3A_215] : memref<100000x128xf32, #tpu.memory_space<hbm>> -> memref<250x128xf32, #tpu.memory_space<hbm>>
      %dma_start3A_217 = arith.constant 0 : i32
      %dma_start3A_218 = tpu.memref_slice %arg5[%add3A_120, %dma_start3A_217] : memref<100000x128xf32, #tpu.memory_space<hbm>> -> memref<250x128xf32, #tpu.memory_space<hbm>>
      %dma_start3A_219 = arith.constant 0 : i32
      %dma_start3A_220 = arith.constant 0 : i32
      %dma_start3A_221 = tpu.memref_slice %arg7[%rem3A_111, %dma_start3A_219, %dma_start3A_220] : memref<3x250x128xf32, #tpu.memory_space<vmem>> -> memref<1x250x128xf32, #tpu.memory_space<vmem>>
      %dma_start3A_222 = tpu.memref_squeeze %dma_start3A_221 : memref<1x250x128xf32, #tpu.memory_space<vmem>> -> memref<250x128xf32, #tpu.memory_space<vmem>>
      tpu.enqueue_dma source(%dma_start3A_222 : memref<250x128xf32, #tpu.memory_space<vmem>>) target(%dma_start3A_218 : memref<250x128xf32, #tpu.memory_space<hbm>>) target_semaphore(%arg10 : memref<!tpu.dma_semaphore, #tpu.memory_space<semaphore_mem>>)
      %add3A_223 = arith.constant 1 : i32
      %add3A_224 = arith.addi %scan3A_108, %add3A_223 : i32
      %lt3A_225 = arith.constant 13 : i32
      %lt3A_226 = arith.cmpi slt, %add3A_224, %lt3A_225 : i32
      %convert_element_type3A_227 = arith.extui %lt3A_226 : i1 to i32
      %cond3A_228 = arith.constant 0 : i32
      %cond3A_229 = arith.cmpi ne, %convert_element_type3A_227, %cond3A_228 : i32
      scf.if %cond3A_229 {
        %add3A_230 = arith.constant 1 : i32
        %add3A_231 = arith.addi %scan3A_108, %add3A_230 : i32
        %rem3A_232 = arith.constant 2 : i32
        %rem3A_233 = arith.remsi %add3A_231, %rem3A_232 : i32
        %min3A_234 = arith.constant 16320 : i32
        %min3A_235 = arith.minsi %scan3A_209#0, %min3A_234 : i32
        %mul3A_236 = arith.constant 128 : i32
        %mul3A_237 = arith.muli %min3A_235, %mul3A_236 : i32
        %mul3A_238 = arith.constant 8192 : i32
        %mul3A_239 = arith.muli %rem3A_233, %mul3A_238 : i32
        %dma_start3A_240 = tpu.memref_slice %arg8[%mul3A_239] : memref<16384xf32, #tpu.memory_space<vmem>> -> memref<8192xf32, #tpu.memory_space<vmem>>
        %dma_start3A_241 = tpu.memref_slice %arg3[%mul3A_237] : memref<2097152xf32, #tpu.memory_space<hbm>> -> memref<8192xf32, #tpu.memory_space<hbm>>
        %dma_start3A_242 = tpu.memref_slice %arg8[%mul3A_239] : memref<16384xf32, #tpu.memory_space<vmem>> -> memref<8192xf32, #tpu.memory_space<vmem>>
        %dma_start3A_243 = tpu.memref_slice %arg3[%mul3A_237] : memref<2097152xf32, #tpu.memory_space<hbm>> -> memref<8192xf32, #tpu.memory_space<hbm>>
        tpu.enqueue_dma source(%dma_start3A_243 : memref<8192xf32, #tpu.memory_space<hbm>>) target(%dma_start3A_242 : memref<8192xf32, #tpu.memory_space<vmem>>) target_semaphore(%arg11 : memref<!tpu.dma_semaphore, #tpu.memory_space<semaphore_mem>>)
      } else {
      }
      scf.yield %scan3A_209#0 : i32
    }
    %scan3A_52 = arith.constant 13 : i32
    %rem3A = arith.constant 10 : i32
    %rem3A_53 = arith.constant 3 : i32
    %rem3A_54 = arith.remsi %rem3A, %rem3A_53 : i32
    %min3A_55 = arith.constant 2500 : i32
    %min3A_56 = arith.constant 2875 : i32
    %min3A_57 = arith.minsi %min3A_55, %min3A_56 : i32
    %add3A_58 = arith.addi %mul3A_2, %min3A_57 : i32
    %dma_wait3A = arith.constant 0 : i32
    %dma_wait3A_59 = arith.constant 0 : i32
    %dma_wait3A_60 = tpu.memref_slice %arg7[%rem3A_54, %dma_wait3A, %dma_wait3A_59] : memref<3x250x128xf32, #tpu.memory_space<vmem>> -> memref<1x250x128xf32, #tpu.memory_space<vmem>>
    %dma_wait3A_61 = tpu.memref_squeeze %dma_wait3A_60 : memref<1x250x128xf32, #tpu.memory_space<vmem>> -> memref<250x128xf32, #tpu.memory_space<vmem>>
    %dma_wait3A_62 = arith.constant 0 : i32
    %dma_wait3A_63 = tpu.memref_slice %arg5[%add3A_58, %dma_wait3A_62] : memref<100000x128xf32, #tpu.memory_space<hbm>> -> memref<250x128xf32, #tpu.memory_space<hbm>>
    %dma_wait3A_64 = arith.constant 0 : i32
    %dma_wait3A_65 = tpu.memref_slice %arg5[%add3A_58, %dma_wait3A_64] : memref<100000x128xf32, #tpu.memory_space<hbm>> -> memref<250x128xf32, #tpu.memory_space<hbm>>
    %dma_wait3A_66 = arith.constant 0 : i32
    %dma_wait3A_67 = arith.constant 0 : i32
    %dma_wait3A_68 = tpu.memref_slice %arg7[%rem3A_54, %dma_wait3A_66, %dma_wait3A_67] : memref<3x250x128xf32, #tpu.memory_space<vmem>> -> memref<1x250x128xf32, #tpu.memory_space<vmem>>
    %dma_wait3A_69 = tpu.memref_squeeze %dma_wait3A_68 : memref<1x250x128xf32, #tpu.memory_space<vmem>> -> memref<250x128xf32, #tpu.memory_space<vmem>>
    tpu.wait_dma2 semaphore(%arg10 : memref<!tpu.dma_semaphore, #tpu.memory_space<semaphore_mem>>) src(%dma_wait3A_69 : memref<250x128xf32, #tpu.memory_space<vmem>>) dst(%dma_wait3A_65 : memref<250x128xf32, #tpu.memory_space<hbm>>)
    %rem3A_70 = arith.constant 11 : i32
    %rem3A_71 = arith.constant 3 : i32
    %rem3A_72 = arith.remsi %rem3A_70, %rem3A_71 : i32
    %min3A_73 = arith.constant 2750 : i32
    %min3A_74 = arith.constant 2875 : i32
    %min3A_75 = arith.minsi %min3A_73, %min3A_74 : i32
    %add3A_76 = arith.addi %mul3A_2, %min3A_75 : i32
    %dma_wait3A_77 = arith.constant 0 : i32
    %dma_wait3A_78 = arith.constant 0 : i32
    %dma_wait3A_79 = tpu.memref_slice %arg7[%rem3A_72, %dma_wait3A_77, %dma_wait3A_78] : memref<3x250x128xf32, #tpu.memory_space<vmem>> -> memref<1x250x128xf32, #tpu.memory_space<vmem>>
    %dma_wait3A_80 = tpu.memref_squeeze %dma_wait3A_79 : memref<1x250x128xf32, #tpu.memory_space<vmem>> -> memref<250x128xf32, #tpu.memory_space<vmem>>
    %dma_wait3A_81 = arith.constant 0 : i32
    %dma_wait3A_82 = tpu.memref_slice %arg5[%add3A_76, %dma_wait3A_81] : memref<100000x128xf32, #tpu.memory_space<hbm>> -> memref<250x128xf32, #tpu.memory_space<hbm>>
    %dma_wait3A_83 = arith.constant 0 : i32
    %dma_wait3A_84 = tpu.memref_slice %arg5[%add3A_76, %dma_wait3A_83] : memref<100000x128xf32, #tpu.memory_space<hbm>> -> memref<250x128xf32, #tpu.memory_space<hbm>>
    %dma_wait3A_85 = arith.constant 0 : i32
    %dma_wait3A_86 = arith.constant 0 : i32
    %dma_wait3A_87 = tpu.memref_slice %arg7[%rem3A_72, %dma_wait3A_85, %dma_wait3A_86] : memref<3x250x128xf32, #tpu.memory_space<vmem>> -> memref<1x250x128xf32, #tpu.memory_space<vmem>>
    %dma_wait3A_88 = tpu.memref_squeeze %dma_wait3A_87 : memref<1x250x128xf32, #tpu.memory_space<vmem>> -> memref<250x128xf32, #tpu.memory_space<vmem>>
    tpu.wait_dma2 semaphore(%arg10 : memref<!tpu.dma_semaphore, #tpu.memory_space<semaphore_mem>>) src(%dma_wait3A_88 : memref<250x128xf32, #tpu.memory_space<vmem>>) dst(%dma_wait3A_84 : memref<250x128xf32, #tpu.memory_space<hbm>>)
    %rem3A_89 = arith.constant 12 : i32
    %rem3A_90 = arith.constant 3 : i32
    %rem3A_91 = arith.remsi %rem3A_89, %rem3A_90 : i32
    %min3A_92 = arith.constant 3000 : i32
    %min3A_93 = arith.constant 2875 : i32
    %min3A_94 = arith.minsi %min3A_92, %min3A_93 : i32
    %add3A_95 = arith.addi %mul3A_2, %min3A_94 : i32
    %dma_wait3A_96 = arith.constant 0 : i32
    %dma_wait3A_97 = arith.constant 0 : i32
    %dma_wait3A_98 = tpu.memref_slice %arg7[%rem3A_91, %dma_wait3A_96, %dma_wait3A_97] : memref<3x250x128xf32, #tpu.memory_space<vmem>> -> memref<1x250x128xf32, #tpu.memory_space<vmem>>
    %dma_wait3A_99 = tpu.memref_squeeze %dma_wait3A_98 : memref<1x250x128xf32, #tpu.memory_space<vmem>> -> memref<250x128xf32, #tpu.memory_space<vmem>>
    %dma_wait3A_100 = arith.constant 0 : i32
    %dma_wait3A_101 = tpu.memref_slice %arg5[%add3A_95, %dma_wait3A_100] : memref<100000x128xf32, #tpu.memory_space<hbm>> -> memref<250x128xf32, #tpu.memory_space<hbm>>
    %dma_wait3A_102 = arith.constant 0 : i32
    %dma_wait3A_103 = tpu.memref_slice %arg5[%add3A_95, %dma_wait3A_102] : memref<100000x128xf32, #tpu.memory_space<hbm>> -> memref<250x128xf32, #tpu.memory_space<hbm>>
    %dma_wait3A_104 = arith.constant 0 : i32
    %dma_wait3A_105 = arith.constant 0 : i32
    %dma_wait3A_106 = tpu.memref_slice %arg7[%rem3A_91, %dma_wait3A_104, %dma_wait3A_105] : memref<3x250x128xf32, #tpu.memory_space<vmem>> -> memref<1x250x128xf32, #tpu.memory_space<vmem>>
    %dma_wait3A_107 = tpu.memref_squeeze %dma_wait3A_106 : memref<1x250x128xf32, #tpu.memory_space<vmem>> -> memref<250x128xf32, #tpu.memory_space<vmem>>
    tpu.wait_dma2 semaphore(%arg10 : memref<!tpu.dma_semaphore, #tpu.memory_space<semaphore_mem>>) src(%dma_wait3A_107 : memref<250x128xf32, #tpu.memory_space<vmem>>) dst(%dma_wait3A_103 : memref<250x128xf32, #tpu.memory_space<hbm>>)
    return
  }
}

</mosaic_0001>

<sc_bundles>
// kernel: kernel.3.cloned.1.call-start
scs
__scs_entry_jumppad:
0x0: {  	(pc) =	sbr.rel $0x88, $3  }
0x1: {  	(tag) =	ssettag $0x0;
	lr =	simm.s32 $0x1  }
0x2: {  	[smem:$0x3F9E] =	sst lr;
	_ =	strace $0xD0000000  }
0x3: {  	_ = 	snop  }
0x4: {  	_ = 	snop  }
0x5: {  	_ = 	snop  }
0x6: {  	_ = 	snop  }
0x7: {  	_ = 	snop  }
__scs_overlays_trampoline_lowered:
0x8: {  	[smem:$0x3FAD] =	sst s0  }
0x9: {  	[smem:$0x3FAE] =	sst s1  }
0xa: {  	[smem:$0x3FAF] =	sst s2  }
0xb: {  	[smem:$0x3FB0] =	sst s3  }
0xc: {  	[smem:$0x3FB1] =	sst s4  }
0xd: {  	[smem:$0x3FB2] =	sst s5  }
0xe: {  	[smem:$0x3FB3] =	sst s6  }
0xf: {  	[smem:$0x3FB4] =	sst s7  }
0x10: {  	[smem:$0x3FB5] =	sst s8  }
0x11: {  	[smem:$0x3FB6] =	sst s9;
	s0 =	simm.s32 @!p0 $0x0  }
0x12: {  	s1 =	sld [smem:$0x3F9C];
	s0 =	simm.s32 @p0 $0x1  }
0x13: {  	[smem:$0x3FB7] =	sst s0;
	s0 =	simm.s32 @!p1 $0x0  }
0x14: {  	s2 =	sld [smem:$0x3F9B];
	s0 =	simm.s32 @p1 $0x1  }
0x15: {  	[smem:$0x3FB8] =	sst s0;
	s0 =	simm.s32 @!p2 $0x0  }
0x16: {  	s3 =	sld [smem:$0x3FDB];
	s0 =	simm.s32 @p2 $0x1  }
0x17: {  	s4 =	simm.s32 $0x1BF5;
	[smem:$0x3FBA] =	sst s0  }
0x18: {  	s0 =	sld [smem:$0x3F9D];
	_ =	swait.ge [sflag:s4], $0x0  }
0x19: {  	s7 =	sld [smem:$0x3F9E]  }
0x1a: {  	s8 =	sadd.s32 $0xFFFFE003, lr  }
0x1b: {  	s9 =	sadd.s32 $0xFFFFFEF7, lr;
	s5 =	simm.s32 $0xFFFFFFFF;
	p2 =	slt.u32 s8, $0xFFFFF086  }
0x1c: {  	p1 =	slt.u32 s9, $0xF7A;
	s5 =	simm.s32 @!p2 $0x0  }
0x1d: {  	s5 =	simm.s32 @p1 $0x1;
	p0 =	seq.s32 s7, s2  }
0x1e: {  	s7 =	smul.u32 @!p0 $0xF7A, s2;
	p2 =	seq.s32 @!p0 s5, $0x0  }
0x1f: {  	s9 =	smul.u32 $0xF7A, s1;
	s8 =	simm.s32 @!p0 $0x1BF5;
	p2 =	por !p2, p0  }
0x20: {  	[sflag:s8] =	ssyncset.s32 @!p0 $0xFFFFF086;
	s6 =	sadd.s32 @!p0 s3, s7;
	s7 =	simm.s32 @!p0 $0x108  }
0x21: {  	s3 =	sadd.s32 s3, s9;
	s6 =	sadd.s32 @!p0 $0x88, s6;
	s7 =	simm.s32 @p2 $0x1082  }
0x22: {  	[simem:s7], [sflag:s8] =	dma.local @!p0 [hbm:s6], $0xF7A  }
0x23: {  	s9 =	sor.u32 $0xD0000000, s2;
	s6 =	simm.s32 $0x108;
	_ =	swait.ge @!p0 [sflag:s8], $0x0  }
0x24: {  	s3 =	sadd.s32 $0x88, s3;
	s6 =	simm.s32 @!p1 $0x1082;
	[sflag:s4] =	ssyncset.s32 $0xFFFFF086  }
0x25: {  	[simem:s6], [sflag:s4] =	dma.local [hbm:s3], $0xF7A  }
0x26: {  	[smem:$0x3F9E] =	sst s1;
	(tag) =	ssettag s2;
	_ =	strace s9  }
0x27: {  	s1 =	sld [smem:$0x3FAE]  }
0x28: {  	s2 =	sld [smem:$0x3FAF]  }
0x29: {  	s4 =	sld [smem:$0x3FB1]  }
0x2a: {  	p0 =	seq.s32 s5, $0x0;
	s5 =	sld [smem:$0x3FB2]  }
0x2b: {  	s6 =	sld [smem:$0x3FB3]  }
0x2c: {  	s7 =	sld [smem:$0x3FB4]  }
0x2d: {  	s3 =	simm.s32 $0x108;
	s8 =	sld [smem:$0x3FB5]  }
0x2e: {  	s3 =	simm.s32 @!p0 $0x1082;
	s9 =	sld [smem:$0x3FB6]  }
0x2f: {  	lr =	sadd.s32 s0, s3;
	s0 =	sld [smem:$0x3FAD]  }
0x30: {  	s3 =	sld [smem:$0x3FB0]  }
0x31: {  	[smem:$0x3FB9] =	sst s10  }
0x32: {  	s10 =	sld [smem:$0x3FB7];
	_ =	sdelay $0x3  }
0x33: {  	p0 =	seq.s32 s10, $0x1;
	s10 =	sld [smem:$0x3FB9];
	_ =	sdelay $0x3  }
0x34: {  	[smem:$0x3FB9] =	sst s10  }
0x35: {  	s10 =	sld [smem:$0x3FB8];
	_ =	sdelay $0x3  }
0x36: {  	p1 =	seq.s32 s10, $0x1;
	s10 =	sld [smem:$0x3FB9];
	_ =	sdelay $0x3  }
0x37: {  	[smem:$0x3FB9] =	sst s10  }
0x38: {  	s10 =	sld [smem:$0x3FBA]  }
0x39: {  	_ = 	snop;
	(pc) =	sbr.ind lr, $3  }
0x3a: {  	_ = 	snop  }
0x3b: {  	_ = 	snop  }
0x3c: {  	p2 =	seq.s32 s10, $0x1;
	s10 =	sld [smem:$0x3FB9]  }
0x3d: {  	_ =	shalt  }
0x3e: {  	_ =	shalt  }
0x3f: {  	_ =	shalt  }
0x40: {  	_ =	shalt  }
0x41: {  	_ =	shalt  }
0x42: {  	_ =	shalt  }
0x43: {  	_ =	shalt  }
0x44: {  	_ =	shalt  }
0x45: {  	_ =	shalt  }
0x46: {  	_ =	shalt  }
0x47: {  	_ =	shalt  }
0x48: {  	_ =	shalt  }
0x49: {  	_ =	shalt  }
0x4a: {  	_ =	shalt  }
0x4b: {  	_ =	shalt  }
0x4c: {  	_ =	shalt  }
0x4d: {  	_ =	shalt  }
0x4e: {  	_ =	shalt  }
0x4f: {  	_ =	shalt  }
0x50: {  	_ =	shalt  }
0x51: {  	_ =	shalt  }
0x52: {  	_ =	shalt  }
0x53: {  	_ =	shalt  }
0x54: {  	_ =	shalt  }
0x55: {  	_ =	shalt  }
0x56: {  	_ =	shalt  }
0x57: {  	_ =	shalt  }
0x58: {  	_ =	shalt  }
0x59: {  	_ =	shalt  }
0x5a: {  	_ =	shalt  }
0x5b: {  	_ =	shalt  }
0x5c: {  	_ =	shalt  }
0x5d: {  	_ =	shalt  }
0x5e: {  	_ =	shalt  }
0x5f: {  	_ =	shalt  }
0x60: {  	_ =	shalt  }
0x61: {  	_ =	shalt  }
0x62: {  	_ =	shalt  }
0x63: {  	_ =	shalt  }
0x64: {  	_ =	shalt  }
0x65: {  	_ =	shalt  }
0x66: {  	_ =	shalt  }
0x67: {  	_ =	shalt  }
0x68: {  	_ =	shalt  }
0x69: {  	_ =	shalt  }
0x6a: {  	_ =	shalt  }
0x6b: {  	_ =	shalt  }
0x6c: {  	_ =	shalt  }
0x6d: {  	_ =	shalt  }
0x6e: {  	_ =	shalt  }
0x6f: {  	_ =	shalt  }
0x70: {  	_ =	shalt  }
0x71: {  	_ =	shalt  }
0x72: {  	_ =	shalt  }
0x73: {  	_ =	shalt  }
0x74: {  	_ =	shalt  }
0x75: {  	_ =	shalt  }
0x76: {  	_ =	shalt  }
0x77: {  	_ =	shalt  }
0x78: {  	_ =	shalt  }
0x79: {  	_ =	shalt  }
0x7a: {  	_ =	shalt  }
0x7b: {  	_ =	shalt  }
0x7c: {  	_ =	shalt  }
0x7d: {  	_ =	shalt  }
0x7e: {  	_ =	shalt  }
0x7f: {  	_ =	shalt  }
0x80: {  	_ =	shalt  }
0x81: {  	_ =	shalt  }
0x82: {  	_ =	shalt  }
0x83: {  	_ =	shalt  }
0x84: {  	_ =	shalt  }
0x85: {  	_ =	shalt  }
0x86: {  	_ =	shalt  }
0x87: {  	_ =	shalt  }
.Lfunc_end0:
.L_simem_size_0:
called_computation_lowered:
.L_overlay_start_0:
0x88: {  	s2 =	sld [smem:$0x3FD9]  }
0x89: {  	s3 =	sld [smem:$0x3FFE];
	_ =	sdelay $0x1  }
0x8a: {  	s1 =	srdreg.scid  }
0x8b: {  	s0 =	sand.u32 $0x1, s1  }
0x8c: {  	s18 =	sshll.u32 s0, $0xA;
	s2 =	sadd.s32 s3, s2  }
0x8d: {  	s2 =	sadd.s32 s2, s18  }
0x8e: {  	[smem:$0x3FC5] =	sst s2  }
0x8f: {  	_ = 	snop  }
0x90: {  	s2 =	sld [smem:$0x3FC9]  }
0x91: {  	s19 =	sld [smem:$0x3FC8]  }
0x92: {  	s4 =	sld [smem:$0x3FC7]  }
0x93: {  	s5 =	sld [smem:$0x3FD0];
	(tm) =	ssettm $0x1  }
0x94: {  	s6 =	sld [smem:$0x3FFB];
	_ =	sdelay $0x3  }
0x95: {  	_ =	strace s6  }
0x96: {  	s6 =	sld [smem:$0x3FFC];
	_ =	sdelay $0x3  }
0x97: {  	_ =	strace s6  }
0x98: {  	s6 =	sld [smem:$0x3FFD];
	_ =	sdelay $0x3  }
0x99: {  	_ =	strace s6  }
0x9a: {  	_ =	strace $0x8FFFFFFF  }
0x9b: {  	s20 =	sld [smem:$0x3FDB];
	_ =	sdelay $0x1  }
0x9c: {  	s7 =	simm.s32 $_scs_section_size  }
0x9d: {  	s8 =	simm.s32 $_size__tile_overlayer_lowered;
	s9 =	simm.s32 $_tile_overlayer_lowered  }
0x9e: {  	s23 =	simm.s32 $0x1BFF;
	s22 =	sshll.u32 s9, $0x1;
	s6 =	sadd.s32 s7, s20  }
0x9f: {  	s10 =	simm.s32 $0x0;
	s21 =	sshll.u32 s8, $0x1;
	s8 =	sadd.s32 s22, s6  }
0xa0: {  	[timem:s10], [sflag:s23] =	dma.local [hbm:s8], s21  }
0xa1: {  	_ =	swait.ge [sflag:s23], s21  }
0xa2: {  	s7 =	ssub.s32 $0x0, s21;
	[sflag:s23] =	ssyncset.done $0x0  }
0xa3: {  	[sflag:s23] =	ssyncadd.s32 s7;
	_ =	sdelay $0x1  }
0xa4: {  	s24 =	simm.s32 $0x1B8B  }
0xa5: {  	_ =	swait.ge [sflag:s24], $0x1  }
0xa6: {  	[sflag:s24] =	ssyncset.done $0x0  }
0xa7: {  	s25 =	simm.s32 $0x1B8E;
	[sflag:s24] =	ssyncadd.s32 $0xFFFFFFFF  }
0xa8: {  	s26 =	simm.s32 $execute0_lowered;
	[smem:$0x3FD2] =	sst s25  }
0xa9: {  	s7 =	sshll.u32 s26, $0x1;
	_ =	strace $0x80000046;
	[dreg:$0x1] =	wrdreg $0xFFFFFFFF  }
0xaa: {  	s28 =	simm.s32 $_size_execute0_lowered;
	s6 =	sadd.s32 s6, s7;
	[dreg:$0x0] =	wrdreg $0x0  }
0xab: {  	s7 =	sshll.u32 s28, $0x1;
	[dreg:$0x2] =	wrdreg s6  }
0xac: {  	[dreg:$0x3] =	wrdreg s7  }
0xad: {  	[dreg:$0x4] =	wrdreg $0xC0  }
0xae: {  	_ =	task [dreg:s10], $0x5FFFF  }
0xaf: {  	[dreg:$0x1] =	wrdreg $0xFFFFFFFF  }
0xb0: {  	[dreg:$0x0] =	wrdreg $0x60  }
0xb1: {  	[dreg:$0x2] =	wrdreg s2  }
0xb2: {  	[dreg:$0x3] =	wrdreg s19  }
0xb3: {  	[dreg:$0x4] =	wrdreg s4  }
0xb4: {  	[dreg:$0x5] =	wrdreg s5  }
0xb5: {  	[dreg:$0x6] =	wrdreg $0x9  }
0xb6: {  	_ =	task.clear_ibuf [dreg:s10], $0x7FFFF;
	_ =	strace $0x90000046  }
0xb7: {  	s29 =	simm.s32 $0x9;
	_ =	strace $0x80000048  }
0xb8: {  	_ =	swait.ge [sflag:s29], $0x1  }
0xb9: {  	[sflag:s29] =	ssyncadd.s32 $0xFFFFFFFF  }
0xba: {  	_ =	strace $0x90000048  }
0xbb: {  	_ =	sfence  }
0xbc: {  	s30 =	sld [smem:$0x0];
	_ =	sdelay $0x2  }
0xbd: {  	s31 =	sshll.u32 s1, $0xD;
	s1 =	sshrl.u32 s1, $0x2  }
0xbe: {  	s3 =	sand.u32 $0x4000, s31;
	s1 =	sadd.s32 s1, s30  }
0xbf: {  	s0 =	sor.u32 s3, s0;
	s1 =	sshll.u32 s1, $0x11  }
0xc0: {  	s0 =	sor.u32 s1, s0  }
0xc1: {  	s0 =	sadd.s32 $0x8F2B, s0  }
0xc2: {  	[sflag:s0] =	ssyncadd.remote.s32 $0x1  }
0xc3: {  	_ =	sfence.sel $0xFFFF  }
0xc4: {  	[dreg:$0x0] =	wrdreg $0xFFFFFFFF;
	(pc) =	sbr.abs _section_cstart, $3  }
0xc5: {  	[dreg:$0x1] =	wrdreg $0xFFFFFFFF  }
0xc6: {  	_ =	task.clear_ibuf [dreg:s10], $0x2FFFF;
	_ =	strace $0x9FFFFFFF  }
0xc7: {  	(tm) =	ssettm $0x7FFFFFFF  }
tec
execute0_lowered:
.L_overlay_start_1:
0x0: {  	(tag) =	ssettag $0x1  }
0x1: {  	s0 =	srdreg.scid;
	s1 =	stileid.u32  }
0x2: {  	s0 =	sand.u32 $0x1, s0;
	s1 =	sshll.u32 s1, $0x1  }
0x3: {  	s2 =	ssub.s32 $0x2, s0;
	s0 =	sor.u32 s0, s1  }
0x4: {  	s29 =	smul.u32 $0xC350, s0  }
.Ltmp0:
0x5: {  	s5 =	rddreg [dreg:$0x0];
	(pc) =	sbr.rel .LBB2_1-.Ltmp0, $4  }
0x6: {  	s3 =	rddreg [dreg:$0x1];
	s4 =	simm.s32 $0x0;
	s28 =	sshrl.u32 s2, $0x1  }
0x7: {  	[smem:$0x7FF] =	sst s4;
	s1 =	ssub.s32 s2, s28;
	s30 =	sadd.s32 s5, s29  }
0x8: {  	_ =	strace $0x80000047;
	s31 =	smax.u32 s1, $0x1;
	[dreg:$0x6] =	wrdreg s30  }
0x9: {  	s7 =	smul.u32 $0xC35, s0;
	s2 =	simm.s32 $0x0;
	[dreg:$0x7] =	wrdreg s31  }
.LBB2_18:
0xa: {  	s1 =	simm.s32 $0x2  }
0xb: {  	_ =	swait.ge [sflag:s1], $0x7D00  }
0xc: {  	[sflag:s1] =	ssyncset.done $0x0  }
0xd: {  	[sflag:s1] =	ssyncadd.s32 $0xFFFF8300  }
0xe: {  	_ =	swait.ge [sflag:s1], $0x7D00  }
0xf: {  	[sflag:s1] =	ssyncset.done $0x0  }
0x10: {  	[sflag:s1] =	ssyncadd.s32 $0xFFFF8300  }
0x11: {  	_ =	swait.ge [sflag:s1], $0x7D00  }
0x12: {  	s2 =	rddreg [dreg:$0x8]  }
0x13: {  	s0 =	rddreg [dreg:$0x7];
	s2 =	sadd.s32 $0x1, s2  }
0x14: {  	p0 =	sne.s32 s2, s0  }
.Ltmp1:
0x15: {  	_ = 	snop;
	(pc) =	sbr.rel @!p0 .LBB2_19-.Ltmp1, $3  }
0x16: {  	_ =	sdelay $0x1  }
0x17: {  	[sflag:s1] =	ssyncset.done $0x0  }
0x18: {  	[sflag:s1] =	ssyncadd.s32 $0xFFFF8300  }
.LBB2_1:
0x19: {  	[dreg:$0x8] =	wrdreg s2  }
0x1a: {  	s1 =	simm.s32 $0x0;
	s0 =	rddreg [dreg:$0x6];
	s29 =	simm.s32 $0x4010  }
0x1b: {  	[tilespmem:s29], [sflag:$0x1] =	stream.linear.gather [hbm4b:s0+s1], $0x7D00, $0x38;
	[tilespmem:$0x1F710] =	vst v63  }
0x1c: {  	s30 =	rddreg [dreg:$0x2];
	s31 =	simm.s32 $0x4  }
0x1d: {  	[tilespmem:s1], [sflag:$0x4] =	stream.linear.gather [hbm4b:s30+s1], $0x4000, $0x38;
	[tilespmem:$0x1F710] =	vst v63  }
0x1e: {  	_ =	swait.ge [sflag:s31], $0x4000  }
0x1f: {  	s2 =	simm.s32 $0x4000;
	s16 =	simm.s32 $0x0;
	[sflag:s31] =	ssyncset.done $0x0  }
0x20: {  	s0 =	simm.s32 $0xD;
	s1 =	simm.s32 $0x4000;
	[sflag:s31] =	ssyncadd.s32 $0xFFFFC000  }
.LBB2_2:
0x21: {  	s4 =	smov.u32 s1  }
0x22: {  	p0 =	sne.s32 s0, $0x1;
	s1 =	sand.u32 $0x1, s2  }
0x23: {  	p1 =	slt.s32 s2, $0x1;
	p2 =	seq.s32 s1, $0x1  }
0x24: {  	s1 =	sshrl.u32 s2, $0x1F;
	p1 =	por !p1, !p2  }
0x25: {  	s1 =	sadd.s32 s1, s2;
	s2 =	simm.s32 $0x1;
	p1 =	por !p1, !p1  }
0x26: {  	s1 =	sshra.s32 s1, $0x1;
	s2 =	simm.s32 @!p1 $0x0  }
0x27: {  	s1 =	ssub.s32 s1, s2  }
0x28: {  	v0 =	vld [tilespmem:s1+$0x0];
	_ =	sdelay $0x4  }
0x29: {  	(v2sf) =	vpush v0, $0x0;
	_ =	sdelay $0xd  }
.Ltmp2:
0x2a: {  	(pc) =	sbr.rel @p0 .LBB2_2-.Ltmp2, $4  }
0x2b: {  	s2 =	spop (v2sf)  }
0x2c: {  	p1 =	slt.s32 s2, s7;
	s2 =	sadd.s32 $0x1, s1  }
0x2d: {  	s16 =	smov.u32 @p1 s2;
	s1 =	smov.u32 @p1 s4  }
0x2e: {  	s0 =	sadd.s32 $0xFFFFFFFF, s0;
	s2 =	sadd.s32 s16, s1  }
0x2f: {  	s0 =	sand.u32 $0x1, s2  }
0x30: {  	p0 =	slt.s32 s2, $0x1;
	p1 =	seq.s32 s0, $0x1  }
0x31: {  	s30 =	sshrl.u32 s2, $0x1F;
	p0 =	por !p0, !p1  }
0x32: {  	s1 =	simm.s32 $0x1;
	s0 =	sadd.s32 s30, s2;
	p0 =	por !p0, !p0  }
0x33: {  	s0 =	sshra.s32 s0, $0x1;
	s1 =	simm.s32 @!p0 $0x0  }
0x34: {  	s0 =	ssub.s32 s0, s1  }
0x35: {  	v0 =	vld [tilespmem:s0+$0x0];
	_ =	sdelay $0x4  }
0x36: {  	(v2sf) =	vpush v0, $0x0;
	_ =	sdelay $0xe  }
0x37: {  	s31 =	spop (v2sf)  }
0x38: {  	s20 =	simm.s32 $0x0;
	s0 =	sadd.s32 $0x1, s0;
	p0 =	slt.s32 s31, s7  }
0x39: {  	s16 =	smov.u32 @p0 s0;
	s0 =	simm.s32 $0x1B710;
	p0 =	por $0x0, $0x0  }
.LBB2_4:
0x3a: {  	p1 =	slt.s32 s16, $0x3FC0;
	s1 =	smov.u32 s16  }
0x3b: {  	s2 =	smul.u32 $0xFA, s20;
	s1 =	simm.s32 @!p1 $0x3FC0  }
0x3c: {  	s4 =	simm.s32 $0x0;
	s1 =	sshll.u32 s1, $0x4  }
0x3d: {  	s5 =	simm.s32 $0x4000;
	s31 =	smin.u32 s2, $0xB3B;
	s1 =	sand.u32 $0x1FFFFFF0, s1  }
0x3e: {  	s2 =	simm.s32 $0x4000;
	s18 =	sadd.s32 s7, s31;
	s1 =	sadd.s32 s3, s1  }
0x3f: {  	[tilespmem:s0], [sflag:$0x3] =	stream.linear.gather [hbm4b:s1+s4], $0x2000, $0x38;
	[tilespmem:$0x1F710] =	vst v63  }
0x40: {  	s0 =	sadd.s32 $0xFA, s18;
	s1 =	simm.s32 $0xD;
	s4 =	simm.s32 $0x0  }
.LBB2_5:
0x41: {  	s6 =	smov.u32 s2  }
0x42: {  	p1 =	sne.s32 s1, $0x1;
	s2 =	sand.u32 $0x1, s5  }
0x43: {  	p2 =	slt.s32 s5, $0x1;
	p3 =	seq.s32 s2, $0x1  }
0x44: {  	s2 =	sshrl.u32 s5, $0x1F;
	p2 =	por !p2, !p3  }
0x45: {  	s2 =	sadd.s32 s2, s5;
	s5 =	simm.s32 $0x1;
	p2 =	por !p2, !p2  }
0x46: {  	s2 =	sshra.s32 s2, $0x1;
	s5 =	simm.s32 @!p2 $0x0  }
0x47: {  	s2 =	ssub.s32 s2, s5  }
0x48: {  	v0 =	vld [tilespmem:s2+$0x0];
	_ =	sdelay $0x4  }
0x49: {  	(v2sf) =	vpush v0, $0x0;
	_ =	sdelay $0xd  }
.Ltmp3:
0x4a: {  	(pc) =	sbr.rel @p1 .LBB2_5-.Ltmp3, $4  }
0x4b: {  	s5 =	spop (v2sf)  }
0x4c: {  	p2 =	slt.s32 s5, s0;
	s5 =	sadd.s32 $0x1, s2  }
0x4d: {  	s4 =	smov.u32 @p2 s5;
	s2 =	smov.u32 @p2 s6  }
0x4e: {  	s1 =	sadd.s32 $0xFFFFFFFF, s1;
	s5 =	sadd.s32 s4, s2  }
0x4f: {  	s1 =	sand.u32 $0x1, s5  }
0x50: {  	p1 =	slt.s32 s5, $0x1;
	p2 =	seq.s32 s1, $0x1  }
0x51: {  	s19 =	sshrl.u32 s5, $0x1F;
	p1 =	por !p1, !p2  }
0x52: {  	s2 =	simm.s32 $0x1;
	s1 =	sadd.s32 s19, s5;
	p1 =	por !p1, !p1  }
0x53: {  	s1 =	sshra.s32 s1, $0x1;
	s2 =	simm.s32 @!p1 $0x0  }
0x54: {  	s1 =	ssub.s32 s1, s2  }
0x55: {  	v0 =	vld [tilespmem:s1+$0x0];
	_ =	sdelay $0x4  }
0x56: {  	(v2sf) =	vpush v0, $0x0;
	_ =	sdelay $0x9  }
0x57: {  	s21 =	smul.u32 $0xAB, s20;
	_ =	sdelay $0x1  }
0x58: {  	s22 =	sadd.s32 $0xAB, s21  }
0x59: {  	s5 =	sshrl.u32 s22, $0x9  }
0x5a: {  	s8 =	sadd.s32 $0x1, s20;
	s24 =	simm.s32 $0x1;
	s5 =	sand.u32 $0x7F, s5  }
0x5b: {  	p1 =	seq.s32 s20, $0xC;
	s23 =	smul.u32 $0x3, s5;
	s6 =	spop (v2sf)  }
0x5c: {  	p3 =	slt.u32 @!p1 s20, $0x2;
	s5 =	smul.u32 @!p1 $0xFA, s8;
	_ =	swait.ge [sflag:s24], $0x7D00  }
0x5d: {  	p3 =	por p3, p1;
	p2 =	slt.s32 s6, s0;
	[sflag:s24] =	ssyncset.done $0x0  }
0x5e: {  	s0 =	ssub.s32 s8, s23;
	s6 =	simm.s32 @!p3 $0x2;
	[sflag:s24] =	ssyncadd.s32 $0xFFFF8300  }
0x5f: {  	s1 =	sadd.s32 $0x1, s1;
	s0 =	sand.u32 $0xFF, s0;
	_ =	swait.ge @!p3 [sflag:s6], $0x7D00  }
0x60: {  	s5 =	smin.u32 @!p1 s5, $0xB3B;
	s0 =	smul.u32 @!p1 $0x1F400, s0;
	[sflag:s6] =	ssyncset.done @!p3 $0x0  }
0x61: {  	s4 =	smov.u32 @p2 s1;
	s1 =	sadd.s32 @!p1 s7, s5;
	[sflag:s6] =	ssyncadd.s32 @!p3 $0xFFFF8300  }
0x62: {  	s1 =	sshll.u32 @!p1 s1, $0x4;
	s0 =	sshrl.u32 @!p1 s0, $0x2;
	s5 =	rddreg [dreg:$0x0]  }
0x63: {  	s0 =	sadd.s32 @!p1 $0x4010, s0;
	s1 =	sadd.s32 @!p1 s5, s1;
	s5 =	simm.s32 @!p1 $0x0  }
0x64: {  	[tilespmem:s0], [sflag:$0x1] =	stream.linear.gather @!p1 [hbm4b:s1+s5], $0x7D00, $0x38;
	[tilespmem:$0x1F710] =	vst v63  }
0x65: {  	s5 =	ssub.s32 s4, s16  }
0x66: {  	s25 =	sadd.s32 $0x3F, s5  }
0x67: {  	s28 =	sand.u32 $0x3F, s25  }
0x68: {  	s29 =	sshra.s32 s25, $0x1F;
	p6 =	slt.s32 s25, $0x1;
	p5 =	sne.s32 s28, $0x0  }
0x69: {  	s2 =	sshrl.u32 s29, $0x1A;
	p2 =	por !p6, !p5  }
0x6a: {  	s0 =	sadd.s32 s2, s25;
	s2 =	simm.s32 $0x1;
	p2 =	por !p2, !p2  }
0x6b: {  	s0 =	sshra.s32 s0, $0x6;
	s2 =	simm.s32 @!p2 $0x0  }
0x6c: {  	s24 =	ssub.s32 s0, s2  }
0x6d: {  	s26 =	sshrl.u32 s21, $0x9;
	p2 =	slt.s32 s24, $0x1  }
.Ltmp4:
0x6e: {  	s1 =	sand.u32 $0x7F, s26;
	(pc) =	sbr.rel @p2 .LBB2_14-.Ltmp4, $4  }
0x6f: {  	s30 =	simm.s32 $0x3;
	s1 =	smul.u32 $0x3, s1  }
0x70: {  	_ =	swait.ge [sflag:s30], $0x2000  }
0x71: {  	[sflag:s30] =	ssyncset.done $0x0;
	s31 =	ssub.s32 s20, s1  }
0x72: {  	[sflag:s30] =	ssyncadd.s32 $0xFFFFE000;
	s1 =	sand.u32 $0xFF, s31  }
0x73: {  	[dreg:$0xb] =	wrdreg s5  }
0x74: {  	[dreg:$0x9] =	wrdreg s8;
	s0 =	sshll.u32 s16, $0x9  }
.Ltmp5:
0x75: {  	[dreg:$0xa] =	wrdreg s1;
	s26 =	sshll.u32 s16, $0x2;
	(pc) =	sbr.rel .LBB2_8-.Ltmp5, $4  }
0x76: {  	v0 =	vmov s1;
	s8 =	simm.f32 $0.0e+00;
	s1 =	simm.s32 $0xFFFFFFFF;
	s2 =	smov.u32 s16  }
0x77: {  	v1 =	vimm.f32 $0.0e+00;
	v2 =	vimm.f32 $0.0e+00;
	v4 =	vimm.f32 $0.0e+00;
	p2 =	por p0, p0;
	s0 =	sshra.s32 s0, $0x2;
	s6 =	sshra.s32 s26, $0x2  }
0x78: {  	v5 =	vimm.f32 $0.0e+00;
	v9 =	vimm.f32 $0.0e+00;
	v6 =	vimm.f32 $0.0e+00;
	s26 =	sadd.s32 $0x1B720, s0;
	s28 =	sadd.s32 $0x1B760, s0;
	s29 =	sadd.s32 $0x1B750, s0  }
0x79: {  	v12 =	vimm.f32 $0.0e+00;
	v3 =	vimm.f32 $0.0e+00;
	v0 =	vmul.u32 $0x7D00, v0;
	s30 =	sadd.s32 $0x1B740, s0;
	s31 =	sadd.s32 $0x1B730, s0;
	s0 =	simm.s32 $0x0  }
.LBB2_11:
0x7a: {  	_ =	sdelay $0x2  }
0x7b: {  	v12 =	vmov v6  }
0x7c: {  	[tilespmem:v2+s17+$0x0] =	vst.idx.msk @!p3 $0xffff, v1;
	v6 =	vmovc v9;
	v9 =	vmovc v7;
	v4 =	vmov v8;
	v2 =	vmov v10;
	v1 =	vmov v11;
	s1 =	smov.u32 s10  }
.LBB2_12:
0x7d: {  	s0 =	sadd.s32 $0x1, s0  }
0x7e: {  	p3 =	sne.s32 s0, s24  }
.Ltmp6:
0x7f: {  	_ = 	snop;
	(pc) =	sbr.rel @!p3 .LBB2_13-.Ltmp6, $4  }
0x80: {  	_ = 	snop  }
0x81: {  	s6 =	sadd.s32 $0x40, s6;
	p2 =	por !p2, !p2  }
0x82: {  	s26 =	sadd.s32 $0x2000, s26;
	s2 =	sadd.s32 $0x40, s2;
	s28 =	sadd.s32 $0x2000, s28  }
0x83: {  	s29 =	sadd.s32 $0x2000, s29;
	s30 =	sadd.s32 $0x2000, s30;
	s31 =	sadd.s32 $0x2000, s31  }
.LBB2_8:
0x84: {  	s5 =	sshll.u32 s0, $0x6  }
0x85: {  	s10 =	sadd.s32 s20, s0;
	s21 =	smov.u32 s4;
	s5 =	sadd.s32 s16, s5  }
0x86: {  	s10 =	sand.u32 $0x1, s10;
	p3 =	slt.s32 s5, $0x3FC0;
	s9 =	smov.u32 s5  }
0x87: {  	s11 =	sadd.s32 $0x40, s5;
	s9 =	simm.s32 @!p3 $0x3FC0;
	p3 =	seq.s32 s0, $0x0  }
0x88: {  	p4 =	slt.s32 s11, s4;
	s9 =	sshll.u32 @!p3 s9, $0x4;
	s10 =	sshll.u32 @!p3 s10, $0xD  }
0x89: {  	s14 =	simm.s32 @!p3 $0x0;
	s21 =	smov.u32 @p4 s11;
	s9 =	sand.u32 @!p3 $0x1FFFFFF0, s9  }
0x8a: {  	s10 =	sadd.s32 @!p3 $0x1B710, s10;
	p4 =	sge.s32 s5, s21;
	s9 =	sadd.s32 @!p3 s3, s9  }
0x8b: {  	[tilespmem:s10], [sflag:$0x4] =	stream.linear.gather @!p3 [hbm4b:s9+s14], $0x2000, $0x38;
	[tilespmem:$0x1F710] =	vst v63  }
.Ltmp7:
0x8c: {  	_ = 	snop;
	(pc) =	sbr.rel @p4 .LBB2_12-.Ltmp7, $4  }
0x8d: {  	s9 =	simm.s32 @!p3 $0x4  }
0x8e: {  	_ =	swait.ge @!p3 [sflag:s9], $0x2000  }
0x8f: {  	[sflag:s9] =	ssyncset.done @!p3 $0x0  }
0x90: {  	[sflag:s9] =	ssyncadd.s32 @!p3 $0xFFFFE000  }
0x91: {  	v7 =	vld [tilespmem:s6+$0x0];
	_ =	sdelay $0x4  }
0x92: {  	(v2sf) =	vpush v7, $0x0;
	_ =	sdelay $0xa  }
0x93: {  	s9 =	simm.s32 $0x1;
	p3 =	slt.s32 s2, $0x3FC0;
	s10 =	smov.u32 s2  }
0x94: {  	s9 =	simm.s32 @!p2 $0x0;
	s10 =	simm.s32 @!p3 $0x3FC0  }
0x95: {  	s9 =	sshll.u32 s9, $0xF;
	s17 =	sshll.u32 s10, $0x9  }
0x96: {  	p3 =	sgt.f32 s8, $0.0e+00;
	[dreg:$0x5] =	wrdreg s9;
	s9 =	ssub.s32 $0x0, s17  }
0x97: {  	s11 =	rddreg [dreg:$0x5];
	s9 =	sshra.s32 s9, $0x2;
	s10 =	spop (v2sf)  }
0x98: {  	s25 =	sadd.s32 s9, s29;
	s17 =	sshrl.u32 s11, $0x2;
	p4 =	seq.s32 @p3 s10, s1  }
0x99: {  	s12 =	sadd.s32 s17, s25;
	p3 =	por p4, !p3  }
0x9a: {  	v11 =	vld [tilespmem:s12+$0x30];
	v7 =	vmov @!p3 s8  }
0x9b: {  	s14 =	sadd.s32 s9, s31;
	v13 =	vld [tilespmem:s12+$0x0];
	(erf) = vrcp.f32 @!p3 v7  }
0x9c: {  	s15 =	sadd.s32 s9, s26;
	s13 =	sadd.s32 s17, s14;
	v10 =	vld [tilespmem:s12+$0xFFFFFFC0]  }
0x9d: {  	s11 =	sadd.s32 s17, s15;
	v8 =	vld [tilespmem:s13+$0x0];
	s22 =	ssub.s32 @!p3 s1, s18  }
0x9e: {  	v7 =	vld [tilespmem:s11+$0x0];
	s11 =	sadd.s32 s9, s30;
	s13 =	sshll.u32 @!p3 s22, $0x7  }
0x9f: {  	v29 =	vld [tilespmem:s12+$0x20];
	s19 =	sadd.s32 s17, s11;
	v14 =	vadd.s32 @!p3 s13, v0  }
0xa0: {  	v15 =	vld [tilespmem:s19+$0x0];
	v14 =	vbroadcast @!p3 v14, $0x0  }
0xa1: {  	v20 =	vadd.f32 v11, v1;
	v23 =	vadd.f32 v10, v3;
	v16 =	vlaneseq.u32 @!p3  }
0xa2: {  	v24 =	vadd.f32 v8, v6;
	v18 =	vor.u32 @!p3 $0x10, v16;
	v19 =	vor.u32 @!p3 v16, v14  }
0xa3: {  	v27 =	vadd.f32 v13, v5;
	v21 =	vor.u32 @!p3 $0x20, v16;
	v18 =	vor.u32 @!p3 v18, v14  }
0xa4: {  	v63 =	vadd.f32 v29, v2;
	p4 =	sne.s32 s10, s1;
	v21 =	vor.u32 @!p3 v21, v14;
	v17 =	vadd.f32 v7, v12;
	v25 =	vpop @!p3 (erf)  }
0xa5: {  	s23 =	sadd.s32 s9, s28;
	v26 =	vadd.f32 v15, v9;
	v28 =	vmul.f32 @!p3 v25, v3;
	v3 =	vpsel p4, v10, v23  }
0xa6: {  	s9 =	sadd.s32 s17, s23;
	s17 =	simm.s32 @!p3 $0x4010;
	v10 =	vor.u32 @!p3 $0x30, v16;
	v12 =	vmul.f32 @!p3 v25, v12;
	v23 =	vmul.f32 @!p3 v25, v6  }
0xa7: {  	v22 =	vld [tilespmem:s9+$0x0];
	v6 =	vpsel p4, v7, v17;
	v10 =	vor.u32 @!p3 v10, v14;
	[tilespmem:v19+s17+$0x0] =	vst.idx.msk @!p3 $0xffff, v28;
	v19 =	vor.u32 @!p3 $0x40, v16  }
0xa8: {  	v7 =	vor.u32 @!p3 $0x50, v16;
	v17 =	vmul.f32 @!p3 v25, v2;
	[tilespmem:v18+s17+$0x0] =	vst.idx.msk @!p3 $0xffff, v12;
	v12 =	vor.u32 @!p3 v19, v14  }
0xa9: {  	s9 =	sadd.s32 $0x1, s5;
	v2 =	vor.u32 @!p3 $0x70, v16;
	v18 =	vor.u32 @!p3 $0x60, v16;
	v19 =	vor.u32 @!p3 v7, v14  }
0xaa: {  	p5 =	slt.s32 s9, s21;
	v7 =	vpsel p4, v15, v26;
	v15 =	vor.u32 @!p3 v18, v14;
	v18 =	vmul.f32 @!p3 v25, v9  }
.Ltmp8:
0xab: {  	v5 =	vmul.f32 @!p3 v25, v5;
	v2 =	vor.u32 @!p3 v2, v14;
	[tilespmem:v21+s17+$0x0] =	vst.idx.msk @!p3 $0xffff, v23;
	(pc) =	sbr.rel @!p5 .LBB2_11-.Ltmp8, $4  }
0xac: {  	s8 =	sadd.f32 $1.000000000e+00, s8;
	v62 =	vadd.f32 v22, v4;
	v4 =	vmul.f32 @!p3 v25, v4;
	[tilespmem:v10+s17+$0x0] =	vst.idx.msk @!p3 $0xffff, v18  }
0xad: {  	s14 =	sadd.s32 $0x80, s14;
	v11 =	vpsel p4, v11, v20;
	v1 =	vmul.f32 @!p3 v25, v1;
	[tilespmem:v12+s17+$0x0] =	vst.idx.msk @!p3 $0xffff, v5  }
0xae: {  	s15 =	sadd.s32 $0x80, s15;
	s1 =	sadd.s32 $0x80, s23;
	s8 =	simm.s32 @p4 $0x3F800000;
	v9 =	vpsel p4, v8, v24;
	v8 =	vpsel p4, v22, v62;
	[tilespmem:v19+s17+$0x0] =	vst.idx.msk @!p3 $0xffff, v4  }
0xaf: {  	s11 =	sadd.s32 $0x80, s11;
	s5 =	sadd.s32 $0x80, s25;
	s25 =	smov.u32 s6;
	v10 =	vpsel p4, v29, v63;
	v5 =	vpsel p4, v13, v27;
	[tilespmem:v15+s17+$0x0] =	vst.idx.msk @!p3 $0xffff, v17  }
.LBB2_10:
0xb0: {  	[tilespmem:v2+s17+$0x0] =	vst.idx.msk @!p3 $0xffff, v1;
	s25 =	sadd.s32 $0x1, s25  }
0xb1: {  	v2 =	vld [tilespmem:s25+$0x0];
	_ =	sdelay $0x4  }
0xb2: {  	(v2sf) =	vpush v2, $0x0;
	_ =	sdelay $0x3  }
0xb3: {  	s12 =	rddreg [dreg:$0x5]  }
0xb4: {  	s13 =	smov.u32 s10;
	s10 =	sshrl.u32 s12, $0x2  }
0xb5: {  	s12 =	sadd.s32 s10, s5;
	s22 =	sadd.s32 s10, s14  }
0xb6: {  	s23 =	sadd.s32 s10, s11;
	s19 =	sadd.s32 s10, s1;
	s10 =	sadd.s32 s10, s15;
	v18 =	vld [tilespmem:s12+$0x0]  }
0xb7: {  	v19 =	vld [tilespmem:s10+$0x0]  }
0xb8: {  	v20 =	vld [tilespmem:s22+$0x0]  }
0xb9: {  	v21 =	vld [tilespmem:s12+$0xFFFFFFC0]  }
0xba: {  	v22 =	vld [tilespmem:s23+$0x0]  }
0xbb: {  	v23 =	vld [tilespmem:s19+$0x0]  }
0xbc: {  	v24 =	vld [tilespmem:s12+$0x20]  }
0xbd: {  	p3 =	sgt.f32 s8, $0.0e+00;
	v2 =	vld [tilespmem:s12+$0x30]  }
0xbe: {  	v4 =	vmov v6;
	v6 =	vadd.f32 v19, v6;
	s10 =	spop (v2sf)  }
0xbf: {  	v1 =	vmovc v3;
	v13 =	vmov v9;
	v3 =	vadd.f32 v21, v3;
	v9 =	vadd.f32 v20, v9;
	p6 =	seq.s32 @p3 s10, s13  }
0xc0: {  	v12 =	vmovc v7;
	v17 =	vmov v5;
	s17 =	smov.u32 s8;
	v7 =	vadd.f32 v22, v7;
	v5 =	vadd.f32 v18, v5;
	p5 =	sne.s32 s10, s13;
	p3 =	por p6, !p3  }
0xc1: {  	v14 =	vmovc v8;
	v8 =	vadd.f32 v23, v8;
	v6 =	vpsel p5, v19, v6;
	v19 =	vmov @!p3 s17  }
0xc2: {  	v15 =	vmovc v10;
	v16 =	vmovc v11;
	v10 =	vadd.f32 v24, v10;
	v11 =	vadd.f32 v2, v11;
	s12 =	ssub.s32 @!p3 s13, s18;
	(erf) = vrcp.f32 @!p3 v19  }
0xc3: {  	v3 =	vpsel p5, v21, v3;
	v7 =	vpsel p5, v22, v7;
	v9 =	vpsel p5, v20, v9;
	s12 =	sshll.u32 @!p3 s12, $0x7  }
0xc4: {  	v8 =	vpsel p5, v23, v8;
	v10 =	vpsel p5, v24, v10;
	v19 =	vadd.s32 @!p3 s12, v0  }
0xc5: {  	v11 =	vpsel p5, v2, v11;
	v2 =	vbroadcast @!p3 v19, $0x0;
	v19 =	vlaneseq.u32 @!p3  }
0xc6: {  	v5 =	vpsel p5, v18, v5;
	v18 =	vor.u32 @!p3 $0x10, v19;
	v20 =	vor.u32 @!p3 $0x20, v19  }
0xc7: {  	v21 =	vor.u32 @!p3 $0x30, v19;
	v23 =	vor.u32 @!p3 $0x40, v19;
	v24 =	vor.u32 @!p3 $0x50, v19  }
0xc8: {  	v25 =	vor.u32 @!p3 $0x60, v19;
	v22 =	vor.u32 @!p3 v19, v2;
	v19 =	vor.u32 @!p3 $0x70, v19  }
0xc9: {  	v18 =	vor.u32 @!p3 v18, v2  }
0xca: {  	v20 =	vor.u32 @!p3 v20, v2;
	v21 =	vor.u32 @!p3 v21, v2;
	v23 =	vor.u32 @!p3 v23, v2  }
0xcb: {  	v24 =	vor.u32 @!p3 v24, v2;
	v25 =	vor.u32 @!p3 v25, v2;
	v2 =	vor.u32 @!p3 v19, v2;
	v19 =	vpop @!p3 (erf)  }
0xcc: {  	v1 =	vmul.f32 @!p3 v19, v1  }
0xcd: {  	s17 =	simm.s32 @!p3 $0x4010;
	v4 =	vmul.f32 @!p3 v19, v4  }
0xce: {  	s9 =	sadd.s32 $0x1, s9;
	v13 =	vmul.f32 @!p3 v19, v13;
	[tilespmem:v22+s17+$0x0] =	vst.idx.msk @!p3 $0xffff, v1  }
0xcf: {  	p4 =	slt.s32 s9, s21;
	v12 =	vmul.f32 @!p3 v19, v12;
	[tilespmem:v18+s17+$0x0] =	vst.idx.msk @!p3 $0xffff, v4  }
.Ltmp9:
0xd0: {  	v17 =	vmul.f32 @!p3 v19, v17;
	[tilespmem:v20+s17+$0x0] =	vst.idx.msk @!p3 $0xffff, v13;
	(pc) =	sbr.rel @p4 .LBB2_10-.Ltmp9, $4  }
0xd1: {  	v14 =	vmul.f32 @!p3 v19, v14;
	[tilespmem:v21+s17+$0x0] =	vst.idx.msk @!p3 $0xffff, v12  }
0xd2: {  	s8 =	sadd.f32 $1.000000000e+00, s8;
	v4 =	vmul.f32 @!p3 v19, v15;
	[tilespmem:v23+s17+$0x0] =	vst.idx.msk @!p3 $0xffff, v17  }
0xd3: {  	s11 =	sadd.s32 $0x80, s11;
	s14 =	sadd.s32 $0x80, s14;
	s15 =	sadd.s32 $0x80, s15;
	[tilespmem:v24+s17+$0x0] =	vst.idx.msk @!p3 $0xffff, v14  }
0xd4: {  	s1 =	sadd.s32 $0x80, s1;
	s5 =	sadd.s32 $0x80, s5;
	s8 =	simm.s32 @p5 $0x3F800000;
	v1 =	vmul.f32 @!p3 v19, v16;
	[tilespmem:v25+s17+$0x0] =	vst.idx.msk @!p3 $0xffff, v4  }
.Ltmp10:
0xd5: {  	_ = 	snop;
	(pc) =	sbr.rel .LBB2_11-.Ltmp10, $1  }
0xd6: {  	_ =	sdelay $0x3  }
.LBB2_13:
0xd7: {  	s0 =	rddreg [dreg:$0xb]  }
0xd8: {  	p2 =	slt.s32 s0, $0x1  }
0xd9: {  	p3 =	sgt.f32 @!p2 s8, $0.0e+00;
	_ =	sdelay $0x1  }
0xda: {  	p2 =	por !p3, p2  }
0xdb: {  	v7 =	vmov @!p2 s8  }
0xdc: {  	(erf) = vrcp.f32 @!p2 v7;
	_ =	sdelay $0x1  }
0xdd: {  	s0 =	ssub.s32 @!p2 s1, s18  }
0xde: {  	s0 =	sshll.u32 @!p2 s0, $0x7  }
0xdf: {  	v0 =	vadd.s32 @!p2 s0, v0  }
0xe0: {  	v0 =	vbroadcast @!p2 v0, $0x0  }
0xe1: {  	v7 =	vlaneseq.u32 @!p2  }
0xe2: {  	v10 =	vor.u32 @!p2 $0x10, v7;
	v8 =	vor.u32 @!p2 v7, v0  }
0xe3: {  	v11 =	vor.u32 @!p2 $0x20, v7;
	v10 =	vor.u32 @!p2 v10, v0  }
0xe4: {  	v14 =	vor.u32 @!p2 $0x30, v7;
	v11 =	vor.u32 @!p2 v11, v0;
	v13 =	vpop @!p2 (erf)  }
0xe5: {  	v15 =	vor.u32 @!p2 $0x40, v7;
	v14 =	vor.u32 @!p2 v14, v0;
	v3 =	vmul.f32 @!p2 v13, v3  }
0xe6: {  	s0 =	simm.s32 @!p2 $0x4010;
	v16 =	vor.u32 @!p2 $0x50, v7;
	v15 =	vor.u32 @!p2 v15, v0;
	v12 =	vmul.f32 @!p2 v13, v12  }
0xe7: {  	[tilespmem:v8+s0+$0x0] =	vst.idx.msk @!p2 $0xffff, v3;
	v3 =	vmul.f32 @!p2 v13, v6;
	v6 =	vor.u32 @!p2 v16, v0;
	v8 =	vor.u32 @!p2 $0x60, v7  }
0xe8: {  	v9 =	vmul.f32 @!p2 v13, v9;
	v7 =	vor.u32 @!p2 $0x70, v7;
	[tilespmem:v10+s0+$0x0] =	vst.idx.msk @!p2 $0xffff, v12;
	v8 =	vor.u32 @!p2 v8, v0  }
0xe9: {  	v0 =	vor.u32 @!p2 v7, v0;
	[tilespmem:v11+s0+$0x0] =	vst.idx.msk @!p2 $0xffff, v3;
	v3 =	vmul.f32 @!p2 v13, v5  }
0xea: {  	v4 =	vmul.f32 @!p2 v13, v4;
	[tilespmem:v14+s0+$0x0] =	vst.idx.msk @!p2 $0xffff, v9  }
0xeb: {  	v2 =	vmul.f32 @!p2 v13, v2;
	[tilespmem:v15+s0+$0x0] =	vst.idx.msk @!p2 $0xffff, v3  }
0xec: {  	v1 =	vmul.f32 @!p2 v13, v1;
	[tilespmem:v6+s0+$0x0] =	vst.idx.msk @!p2 $0xffff, v4  }
0xed: {  	s8 =	rddreg [dreg:$0x9];
	[tilespmem:v8+s0+$0x0] =	vst.idx.msk @!p2 $0xffff, v2  }
0xee: {  	s1 =	rddreg [dreg:$0xa];
	[tilespmem:v0+s0+$0x0] =	vst.idx.msk @!p2 $0xffff, v1  }
.LBB2_14:
0xef: {  	s0 =	smul.u32 $0x1F400, s1  }
0xf0: {  	s31 =	smul.u32 $0xFA, s8  }
0xf1: {  	s16 =	simm.s32 $0x0;
	s4 =	simm.s32 $0x4000  }
0xf2: {  	s5 =	simm.s32 $0x4000;
	s0 =	sshrl.u32 s0, $0x2;
	s1 =	smin.u32 s31, $0xB3B  }
0xf3: {  	s2 =	simm.s32 $0xD;
	s0 =	sadd.s32 $0x4010, s0;
	s1 =	sadd.s32 s7, s1  }
.LBB2_15:
0xf4: {  	s6 =	smov.u32 s4  }
0xf5: {  	p2 =	sne.s32 s2, $0x1;
	s4 =	sand.u32 $0x1, s5  }
0xf6: {  	p3 =	slt.s32 s5, $0x1;
	p4 =	seq.s32 s4, $0x1  }
0xf7: {  	s4 =	sshrl.u32 s5, $0x1F;
	p3 =	por !p3, !p4  }
0xf8: {  	s4 =	sadd.s32 s4, s5;
	s5 =	simm.s32 $0x1;
	p3 =	por !p3, !p3  }
0xf9: {  	s4 =	sshra.s32 s4, $0x1;
	s5 =	simm.s32 @!p3 $0x0  }
0xfa: {  	s4 =	ssub.s32 s4, s5  }
0xfb: {  	v0 =	vld [tilespmem:s4+$0x0];
	_ =	sdelay $0x4  }
0xfc: {  	(v2sf) =	vpush v0, $0x0;
	_ =	sdelay $0xd  }
.Ltmp11:
0xfd: {  	(pc) =	sbr.rel @p2 .LBB2_15-.Ltmp11, $4  }
0xfe: {  	s5 =	spop (v2sf)  }
0xff: {  	p3 =	slt.s32 s5, s1;
	s5 =	sadd.s32 $0x1, s4  }
0x100: {  	s16 =	smov.u32 @p3 s5;
	s4 =	smov.u32 @p3 s6  }
0x101: {  	s2 =	sadd.s32 $0xFFFFFFFF, s2;
	s5 =	sadd.s32 s16, s4  }
0x102: {  	s2 =	sand.u32 $0x1, s5  }
0x103: {  	p2 =	slt.s32 s5, $0x1;
	p3 =	seq.s32 s2, $0x1  }
0x104: {  	s28 =	sshrl.u32 s5, $0x1F;
	p2 =	por !p2, !p3  }
0x105: {  	s4 =	simm.s32 $0x1;
	s2 =	sadd.s32 s28, s5;
	p2 =	por !p2, !p2  }
0x106: {  	s2 =	sshra.s32 s2, $0x1;
	s4 =	simm.s32 @!p2 $0x0  }
0x107: {  	s2 =	ssub.s32 s2, s4  }
0x108: {  	v0 =	vld [tilespmem:s2+$0x0];
	_ =	sdelay $0x4  }
0x109: {  	(v2sf) =	vpush v0, $0x0;
	_ =	sdelay $0xb  }
0x10a: {  	s29 =	sshll.u32 s18, $0x4;
	s6 =	rddreg [dreg:$0x3]  }
.Ltmp12:
0x10b: {  	s31 =	simm.s32 $0x0;
	s4 =	sadd.s32 s6, s29;
	(pc) =	sbr.rel @p1 .LBB2_18-.Ltmp12, $4  }
0x10c: {  	[hbm4b:s4+s31] =	stream.linear.scatter [tilespmem:s0], [sflag:$0x2], $0x7D00, $0x38;
	[tilespmem:$0x1F710] =	vst v63  }
0x10d: {  	s30 =	spop (v2sf)  }
0x10e: {  	s0 =	sadd.s32 $0x1, s2;
	p2 =	slt.s32 s30, s1  }
0x10f: {  	s16 =	smov.u32 @p2 s0  }
.Ltmp13:
0x110: {  	(pc) =	sbr.rel .LBB2_4-.Ltmp13, $4  }
0x111: {  	_ = 	snop  }
0x112: {  	s0 =	sshll.u32 s8, $0xD  }
0x113: {  	s0 =	sand.u32 $0x2000, s0  }
0x114: {  	p0 =	por !p0, !p0;
	s20 =	smov.u32 s8;
	s0 =	sadd.s32 $0x1B710, s0  }
.LBB2_19:
0x115: {  	_ =	sfence.sel $0x180000  }
0x116: {  	[bflag:$0x0] =	sbarrier.arrive $0xFFFF  }
0x117: {  	_ =	strace $0x90000047  }
0x118: {  	s0 =	stileid.u32;
	[bflag:$0x2] =	sbarrier.arrive $0xFFFF  }
0x119: {  	p0 =	sne.s32 s0, $0x0;
	s0 =	rddreg [dreg:$0x4]  }
0x11a: {  	s0 =	sadd.s32 @!p0 $0x100000, s0  }
0x11b: {  	[sflag:s0] =	ssyncadd.tile.s32 @!p0 $0x1;
	_ =	shalt  }
.Lfunc_end2:
_tile_overlayer_lowered:
.L_overlay_start_2:
0x11c: {  	(tag) =	ssettag $0x2  }
0x11d: {  	s0 =	rddreg [dreg:$0x0];
	s2 =	stileid.u32  }
0x11e: {  	s1 =	rddreg [dreg:$0x1];
	p0 =	sne.s32 s2, $0x0  }
0x11f: {  	s3 =	rddreg [dreg:$0x2];
	[bflag:$0x3] =	sbarrier.arrive $0xFFFF;
	s2 =	simm.s32 @!p0 $0x1C04  }
0x120: {  	[timem:s3], [sflag:s2] =	dma.local @!p0 [hbm:s0], s1  }
0x121: {  	s0 =	simm.s32 @!p0 $0x4  }
0x122: {  	_ =	swait.ge @!p0 [sflag:s0], s1  }
0x123: {  	s1 =	ssub.s32 @!p0 $0x0, s1;
	[sflag:s0] =	ssyncset.done @!p0 $0x0  }
0x124: {  	[sflag:s0] =	ssyncadd.s32 @!p0 s1  }
0x125: {  	[bflag:$0x3] =	sbarrier.arrive $0xFFFF  }
0x126: {  	_ =	shalt  }

</sc_bundles>
